<compile_context>
chip_gen: v7x
topology: tpu7x:2x2x1
jax: 0.10.2.dev20260603
libtpu: 0.0.44.dev20260713+nightly
codegen_flags: <defaults>
</compile_context>

<pallas_src>
import functools

import jax
import jax.numpy as jnp
from jax import lax
from jax.experimental import pallas as pl
from jax.experimental.pallas import tpu as pltpu
from jax.experimental.pallas import tpu_sc as plsc

_LANES = 128
_NBUF = 2


def _make_sc_gather(n_rows, lanes, width, n_cores, n_subcores):
    n_workers = n_cores * n_subcores
    rows_per_w = n_rows // n_workers
    n_groups = rows_per_w // _NBUF
    assert n_groups % 2 == 0 and n_groups >= 4

    mesh = plsc.VectorSubcoreMesh(core_axis_name="c", subcore_axis_name="s")

    @functools.partial(
        pl.kernel,
        mesh=mesh,
        out_type=jax.ShapeDtypeStruct((n_rows * lanes, width), jnp.float32),
        scratch_types=[
            pltpu.VMEM((rows_per_w, lanes), jnp.int32),
            pltpu.VMEM((2, _NBUF, lanes, width), jnp.float32),
            pltpu.SemaphoreType.DMA((2, _NBUF)),
            pltpu.SemaphoreType.DMA((2, _NBUF)),
        ],
        compiler_params=pltpu.CompilerParams(use_tc_tiling_on_sc=False),
    )
    def k(ids_hbm, table_hbm, out_hbm, idx_v, rows_v, sem_g, sem_s):
        wid = lax.axis_index("s") * n_cores + lax.axis_index("c")
        row0 = wid * rows_per_w
        pltpu.sync_copy(ids_hbm.at[pl.ds(row0, rows_per_w)], idx_v)

        def gather_copy(g, h, b):
            return pltpu.make_async_copy(
                table_hbm.at[idx_v.at[g * _NBUF + b]],
                rows_v.at[h, b],
                sem_g.at[h, b],
            )

        def store_copy(g, h, b):
            return pltpu.make_async_copy(
                rows_v.at[h, b],
                out_hbm.at[pl.ds((row0 + g * _NBUF + b) * lanes, lanes)],
                sem_s.at[h, b],
            )

        def process(g, h, first=False, last=False):
            nh = 1 - h
            if not first:
                for b in range(_NBUF):
                    store_copy(g - 1, nh, b).wait()
            if not last:
                for b in range(_NBUF):
                    gather_copy(g + 1, nh, b).start()
            for b in range(_NBUF):
                gather_copy(g, h, b).wait()
                store_copy(g, h, b).start()

        for b in range(_NBUF):
            gather_copy(0, 0, b).start()
        process(0, 0, first=True)
        process(1, 1)

        def body(t, carry):
            g2 = 2 * t
            process(g2, 0)
            process(g2 + 1, 1)
            return carry

        lax.fori_loop(1, n_groups // 2 - 1, body, 0)

        process(n_groups - 2, 0)
        process(n_groups - 1, 1, last=True)
        for b in range(_NBUF):
            store_copy(n_groups - 1, 1, b).wait()

    return k


def kernel(token_ids, weights):
    batch, seq_len = token_ids.shape
    vocab, d_model = weights.shape
    n = batch * seq_len
    n_rows = n // _LANES
    ids2d = token_ids.astype(jnp.int32).reshape(n_rows, _LANES)
    wp = jnp.pad(weights, ((0, 0), (0, _LANES - d_model)))

    info = plsc.get_sparse_core_info()
    k = _make_sc_gather(n_rows, _LANES, _LANES, info.num_cores, info.num_subcores)
    out = k(ids2d, wp)
    return out[:, :d_model].reshape(batch, seq_len, d_model)

# --- scband reference (transcript-rebuilt; emitter-appended) ---
"""Pipeline reference for scband-embedding-40767829573912 (READ-ONLY COPY).

The authoritative reference and input builder live on the scoring server;
editing this copy changes nothing except your own understanding.
"""

import jax, jax.numpy as jnp
import numpy as np

VOCAB_SIZE = 1000000
D_MODEL = 64
BATCH = 4096
SEQ_LEN = 200

def setup_inputs(seed: int = 0) -> dict:
    key = jax.random.key(seed)
    k_idx, k_w = jax.random.split(key)
    token_ids = jax.random.randint(k_idx, (BATCH, SEQ_LEN), 0, VOCAB_SIZE, dtype=jnp.int64 if jax.config.read('jax_enable_x64') else jnp.int32)
    # truncated normal init in [-3, 3], matching nn.init.trunc_normal_
    weights = jax.random.truncated_normal(k_w, -3.0, 3.0, (VOCAB_SIZE, D_MODEL), dtype=jnp.float32)
    return {"token_ids": token_ids, "weights": weights}

def reference(token_ids, weights):
    # weights[token_ids] -> [batch, seq_len, d_model]
    return jnp.take(weights, token_ids.astype(jnp.int32), axis=0)

if __name__ == "__main__":
    import jax
    _d = setup_inputs()
    print(jax.jit(kernel)(*tuple(_d.values())))

</pallas_src>

<mosaic_0001>
#map = affine_map<(d0, d1) -> (0, 0)>
module attributes {stable_mosaic.version = 14 : i64} {
  func.func @k(%arg0: i32, %arg1: i32, %arg2: memref<6400x128xi32, #tpu.memory_space<hbm>>, %arg3: memref<1000000x128xf32, #tpu.memory_space<hbm>>, %arg4: memref<819200x128xf32, #tpu.memory_space<hbm>>, %arg5: memref<200x128xi32, #tpu.memory_space<vmem>>, %arg6: memref<2x2x128x128xf32, #tpu.memory_space<vmem>>, %arg7: memref<2x2x!tpu.dma_semaphore, #tpu.memory_space<semaphore_mem>>, %arg8: memref<2x2x!tpu.dma_semaphore, #tpu.memory_space<semaphore_mem>>) attributes {dimension_semantics = [#tpu.dimension_semantics<core_parallel>, #tpu.dimension_semantics<subcore_parallel>], iteration_bounds = array<i64: 2, 16>, scalar_prefetch = 0 : i64, scratch_operands = 4 : i64, tpu.core_type = #tpu.core_type<sc_vector_subcore>, window_params = [{transform_indices = #map}, {transform_indices = #map}, {transform_indices = #map}]} {
    %mul3A = arith.constant 2 : i32
    %mul3A_0 = arith.muli %arg1, %mul3A : i32
    %add3A = arith.addi %mul3A_0, %arg0 : i32
    %mul3A_1 = arith.constant 200 : i32
    %mul3A_2 = arith.muli %add3A, %mul3A_1 : i32
    "tpu.region"() ({
      %run_scoped3A = tpu.sem_alloc : memref<!tpu.dma_semaphore, #tpu.memory_space<semaphore_mem>>
      %dma_start3A_662 = arith.constant 0 : i32
      %dma_start3A_663 = tpu.memref_slice %arg2[%mul3A_2, %dma_start3A_662] : memref<6400x128xi32, #tpu.memory_space<hbm>> -> memref<200x128xi32, #tpu.memory_space<hbm>>
      %dma_start3A_664 = arith.constant 0 : i32
      %dma_start3A_665 = tpu.memref_slice %arg2[%mul3A_2, %dma_start3A_664] : memref<6400x128xi32, #tpu.memory_space<hbm>> -> memref<200x128xi32, #tpu.memory_space<hbm>>
      tpu.enqueue_dma source(%dma_start3A_665 : memref<200x128xi32, #tpu.memory_space<hbm>>) target(%arg5 : memref<200x128xi32, #tpu.memory_space<vmem>>) target_semaphore(%run_scoped3A : memref<!tpu.dma_semaphore, #tpu.memory_space<semaphore_mem>>)
      %dma_wait3A_666 = arith.constant 0 : i32
      %dma_wait3A_667 = tpu.memref_slice %arg2[%mul3A_2, %dma_wait3A_666] : memref<6400x128xi32, #tpu.memory_space<hbm>> -> memref<200x128xi32, #tpu.memory_space<hbm>>
      %dma_wait3A_668 = arith.constant 0 : i32
      %dma_wait3A_669 = tpu.memref_slice %arg2[%mul3A_2, %dma_wait3A_668] : memref<6400x128xi32, #tpu.memory_space<hbm>> -> memref<200x128xi32, #tpu.memory_space<hbm>>
      tpu.wait_dma2 semaphore(%run_scoped3A : memref<!tpu.dma_semaphore, #tpu.memory_space<semaphore_mem>>) src(%dma_wait3A_669 : memref<200x128xi32, #tpu.memory_space<hbm>>) dst(%arg5 : memref<200x128xi32, #tpu.memory_space<vmem>>)
      tpu.yield
    }) : () -> ()
    %dma_start3A = arith.constant 0 : i32
    %dma_start3A_3 = arith.constant 0 : i32
    %dma_start3A_4 = arith.constant 0 : i32
    %dma_start3A_5 = arith.constant 0 : i32
    %dma_start3A_6 = arith.constant 0 : i32
    %dma_start3A_7 = arith.constant 0 : i32
    %dma_start3A_8 = arith.constant 0 : i32
    %dma_start3A_9 = tpu.memref_slice %arg6[%dma_start3A_3, %dma_start3A_4, %dma_start3A_7, %dma_start3A_8] : memref<2x2x128x128xf32, #tpu.memory_space<vmem>> -> memref<1x1x128x128xf32, #tpu.memory_space<vmem>>
    %dma_start3A_10 = tpu.memref_squeeze %dma_start3A_9 : memref<1x1x128x128xf32, #tpu.memory_space<vmem>> -> memref<128x128xf32, #tpu.memory_space<vmem>>
    %dma_start3A_11 = arith.constant 0 : i32
    %dma_start3A_12 = tpu.memref_slice %arg5[%dma_start3A, %dma_start3A_11] : memref<200x128xi32, #tpu.memory_space<vmem>> -> memref<1x128xi32, #tpu.memory_space<vmem>>
    %dma_start3A_13 = tpu.memref_squeeze %dma_start3A_12 : memref<1x128xi32, #tpu.memory_space<vmem>> -> memref<128xi32, #tpu.memory_space<vmem>>
    %dma_start3A_14 = arith.constant 0 : i32
    %dma_start3A_15 = arith.constant 0 : i32
    %dma_start3A_16 = tpu.memref_slice %arg3[%dma_start3A_14, %dma_start3A_15] : memref<1000000x128xf32, #tpu.memory_space<hbm>> -> memref<1000000x128xf32, #tpu.memory_space<hbm>>
    %dma_start3A_17 = tpu.memref_slice %arg7[%dma_start3A_5, %dma_start3A_6] : memref<2x2x!tpu.dma_semaphore, #tpu.memory_space<semaphore_mem>> -> memref<1x1x!tpu.dma_semaphore, #tpu.memory_space<semaphore_mem>>
    %dma_start3A_18 = tpu.memref_squeeze %dma_start3A_17 : memref<1x1x!tpu.dma_semaphore, #tpu.memory_space<semaphore_mem>> -> memref<!tpu.dma_semaphore, #tpu.memory_space<semaphore_mem>>
    tpu.enqueue_indirect_dma source(%dma_start3A_16 : memref<1000000x128xf32, #tpu.memory_space<hbm>>) target(%dma_start3A_10 : memref<128x128xf32, #tpu.memory_space<vmem>>) offsets(%dma_start3A_13 : memref<128xi32, #tpu.memory_space<vmem>>) semaphore(%dma_start3A_18 : memref<!tpu.dma_semaphore, #tpu.memory_space<semaphore_mem>>)
    %dma_start3A_19 = arith.constant 1 : i32
    %dma_start3A_20 = arith.constant 0 : i32
    %dma_start3A_21 = arith.constant 1 : i32
    %dma_start3A_22 = arith.constant 0 : i32
    %dma_start3A_23 = arith.constant 1 : i32
    %dma_start3A_24 = arith.constant 0 : i32
    %dma_start3A_25 = arith.constant 0 : i32
    %dma_start3A_26 = tpu.memref_slice %arg6[%dma_start3A_20, %dma_start3A_21, %dma_start3A_24, %dma_start3A_25] : memref<2x2x128x128xf32, #tpu.memory_space<vmem>> -> memref<1x1x128x128xf32, #tpu.memory_space<vmem>>
    %dma_start3A_27 = tpu.memref_squeeze %dma_start3A_26 : memref<1x1x128x128xf32, #tpu.memory_space<vmem>> -> memref<128x128xf32, #tpu.memory_space<vmem>>
    %dma_start3A_28 = arith.constant 0 : i32
    %dma_start3A_29 = tpu.memref_slice %arg5[%dma_start3A_19, %dma_start3A_28] : memref<200x128xi32, #tpu.memory_space<vmem>> -> memref<1x128xi32, #tpu.memory_space<vmem>>
    %dma_start3A_30 = tpu.memref_squeeze %dma_start3A_29 : memref<1x128xi32, #tpu.memory_space<vmem>> -> memref<128xi32, #tpu.memory_space<vmem>>
    %dma_start3A_31 = arith.constant 0 : i32
    %dma_start3A_32 = arith.constant 0 : i32
    %dma_start3A_33 = tpu.memref_slice %arg3[%dma_start3A_31, %dma_start3A_32] : memref<1000000x128xf32, #tpu.memory_space<hbm>> -> memref<1000000x128xf32, #tpu.memory_space<hbm>>
    %dma_start3A_34 = tpu.memref_slice %arg7[%dma_start3A_22, %dma_start3A_23] : memref<2x2x!tpu.dma_semaphore, #tpu.memory_space<semaphore_mem>> -> memref<1x1x!tpu.dma_semaphore, #tpu.memory_space<semaphore_mem>>
    %dma_start3A_35 = tpu.memref_squeeze %dma_start3A_34 : memref<1x1x!tpu.dma_semaphore, #tpu.memory_space<semaphore_mem>> -> memref<!tpu.dma_semaphore, #tpu.memory_space<semaphore_mem>>
    tpu.enqueue_indirect_dma source(%dma_start3A_33 : memref<1000000x128xf32, #tpu.memory_space<hbm>>) target(%dma_start3A_27 : memref<128x128xf32, #tpu.memory_space<vmem>>) offsets(%dma_start3A_30 : memref<128xi32, #tpu.memory_space<vmem>>) semaphore(%dma_start3A_35 : memref<!tpu.dma_semaphore, #tpu.memory_space<semaphore_mem>>)
    %dma_start3A_36 = arith.constant 2 : i32
    %dma_start3A_37 = arith.constant 1 : i32
    %dma_start3A_38 = arith.constant 0 : i32
    %dma_start3A_39 = arith.constant 1 : i32
    %dma_start3A_40 = arith.constant 0 : i32
    %dma_start3A_41 = arith.constant 0 : i32
    %dma_start3A_42 = arith.constant 0 : i32
    %dma_start3A_43 = tpu.memref_slice %arg6[%dma_start3A_37, %dma_start3A_38, %dma_start3A_41, %dma_start3A_42] : memref<2x2x128x128xf32, #tpu.memory_space<vmem>> -> memref<1x1x128x128xf32, #tpu.memory_space<vmem>>
    %dma_start3A_44 = tpu.memref_squeeze %dma_start3A_43 : memref<1x1x128x128xf32, #tpu.memory_space<vmem>> -> memref<128x128xf32, #tpu.memory_space<vmem>>
    %dma_start3A_45 = arith.constant 0 : i32
    %dma_start3A_46 = tpu.memref_slice %arg5[%dma_start3A_36, %dma_start3A_45] : memref<200x128xi32, #tpu.memory_space<vmem>> -> memref<1x128xi32, #tpu.memory_space<vmem>>
    %dma_start3A_47 = tpu.memref_squeeze %dma_start3A_46 : memref<1x128xi32, #tpu.memory_space<vmem>> -> memref<128xi32, #tpu.memory_space<vmem>>
    %dma_start3A_48 = arith.constant 0 : i32
    %dma_start3A_49 = arith.constant 0 : i32
    %dma_start3A_50 = tpu.memref_slice %arg3[%dma_start3A_48, %dma_start3A_49] : memref<1000000x128xf32, #tpu.memory_space<hbm>> -> memref<1000000x128xf32, #tpu.memory_space<hbm>>
    %dma_start3A_51 = tpu.memref_slice %arg7[%dma_start3A_39, %dma_start3A_40] : memref<2x2x!tpu.dma_semaphore, #tpu.memory_space<semaphore_mem>> -> memref<1x1x!tpu.dma_semaphore, #tpu.memory_space<semaphore_mem>>
    %dma_start3A_52 = tpu.memref_squeeze %dma_start3A_51 : memref<1x1x!tpu.dma_semaphore, #tpu.memory_space<semaphore_mem>> -> memref<!tpu.dma_semaphore, #tpu.memory_space<semaphore_mem>>
    tpu.enqueue_indirect_dma source(%dma_start3A_50 : memref<1000000x128xf32, #tpu.memory_space<hbm>>) target(%dma_start3A_44 : memref<128x128xf32, #tpu.memory_space<vmem>>) offsets(%dma_start3A_47 : memref<128xi32, #tpu.memory_space<vmem>>) semaphore(%dma_start3A_52 : memref<!tpu.dma_semaphore, #tpu.memory_space<semaphore_mem>>)
    %dma_start3A_53 = arith.constant 3 : i32
    %dma_start3A_54 = arith.constant 1 : i32
    %dma_start3A_55 = arith.constant 1 : i32
    %dma_start3A_56 = arith.constant 1 : i32
    %dma_start3A_57 = arith.constant 1 : i32
    %dma_start3A_58 = arith.constant 0 : i32
    %dma_start3A_59 = arith.constant 0 : i32
    %dma_start3A_60 = tpu.memref_slice %arg6[%dma_start3A_54, %dma_start3A_55, %dma_start3A_58, %dma_start3A_59] : memref<2x2x128x128xf32, #tpu.memory_space<vmem>> -> memref<1x1x128x128xf32, #tpu.memory_space<vmem>>
    %dma_start3A_61 = tpu.memref_squeeze %dma_start3A_60 : memref<1x1x128x128xf32, #tpu.memory_space<vmem>> -> memref<128x128xf32, #tpu.memory_space<vmem>>
    %dma_start3A_62 = arith.constant 0 : i32
    %dma_start3A_63 = tpu.memref_slice %arg5[%dma_start3A_53, %dma_start3A_62] : memref<200x128xi32, #tpu.memory_space<vmem>> -> memref<1x128xi32, #tpu.memory_space<vmem>>
    %dma_start3A_64 = tpu.memref_squeeze %dma_start3A_63 : memref<1x128xi32, #tpu.memory_space<vmem>> -> memref<128xi32, #tpu.memory_space<vmem>>
    %dma_start3A_65 = arith.constant 0 : i32
    %dma_start3A_66 = arith.constant 0 : i32
    %dma_start3A_67 = tpu.memref_slice %arg3[%dma_start3A_65, %dma_start3A_66] : memref<1000000x128xf32, #tpu.memory_space<hbm>> -> memref<1000000x128xf32, #tpu.memory_space<hbm>>
    %dma_start3A_68 = tpu.memref_slice %arg7[%dma_start3A_56, %dma_start3A_57] : memref<2x2x!tpu.dma_semaphore, #tpu.memory_space<semaphore_mem>> -> memref<1x1x!tpu.dma_semaphore, #tpu.memory_space<semaphore_mem>>
    %dma_start3A_69 = tpu.memref_squeeze %dma_start3A_68 : memref<1x1x!tpu.dma_semaphore, #tpu.memory_space<semaphore_mem>> -> memref<!tpu.dma_semaphore, #tpu.memory_space<semaphore_mem>>
    tpu.enqueue_indirect_dma source(%dma_start3A_67 : memref<1000000x128xf32, #tpu.memory_space<hbm>>) target(%dma_start3A_61 : memref<128x128xf32, #tpu.memory_space<vmem>>) offsets(%dma_start3A_64 : memref<128xi32, #tpu.memory_space<vmem>>) semaphore(%dma_start3A_69 : memref<!tpu.dma_semaphore, #tpu.memory_space<semaphore_mem>>)
    %dma_wait3A = arith.constant 0 : i32
    %dma_wait3A_70 = arith.constant 0 : i32
    %dma_wait3A_71 = arith.constant 0 : i32
    %dma_wait3A_72 = arith.constant 0 : i32
    %dma_wait3A_73 = arith.constant 0 : i32
    %dma_wait3A_74 = arith.constant 0 : i32
    %dma_wait3A_75 = arith.constant 0 : i32
    %dma_wait3A_76 = tpu.memref_slice %arg6[%dma_wait3A_70, %dma_wait3A_71, %dma_wait3A_74, %dma_wait3A_75] : memref<2x2x128x128xf32, #tpu.memory_space<vmem>> -> memref<1x1x128x128xf32, #tpu.memory_space<vmem>>
    %dma_wait3A_77 = tpu.memref_squeeze %dma_wait3A_76 : memref<1x1x128x128xf32, #tpu.memory_space<vmem>> -> memref<128x128xf32, #tpu.memory_space<vmem>>
    %dma_wait3A_78 = arith.constant 0 : i32
    %dma_wait3A_79 = tpu.memref_slice %arg5[%dma_wait3A, %dma_wait3A_78] : memref<200x128xi32, #tpu.memory_space<vmem>> -> memref<1x128xi32, #tpu.memory_space<vmem>>
    %dma_wait3A_80 = tpu.memref_squeeze %dma_wait3A_79 : memref<1x128xi32, #tpu.memory_space<vmem>> -> memref<128xi32, #tpu.memory_space<vmem>>
    %dma_wait3A_81 = arith.constant 0 : i32
    %dma_wait3A_82 = arith.constant 0 : i32
    %dma_wait3A_83 = tpu.memref_slice %arg3[%dma_wait3A_81, %dma_wait3A_82] : memref<1000000x128xf32, #tpu.memory_space<hbm>> -> memref<1000000x128xf32, #tpu.memory_space<hbm>>
    %dma_wait3A_84 = tpu.memref_slice %arg7[%dma_wait3A_72, %dma_wait3A_73] : memref<2x2x!tpu.dma_semaphore, #tpu.memory_space<semaphore_mem>> -> memref<1x1x!tpu.dma_semaphore, #tpu.memory_space<semaphore_mem>>
    %dma_wait3A_85 = tpu.memref_squeeze %dma_wait3A_84 : memref<1x1x!tpu.dma_semaphore, #tpu.memory_space<semaphore_mem>> -> memref<!tpu.dma_semaphore, #tpu.memory_space<semaphore_mem>>
    tpu.wait_indirect_dma semaphore(%dma_wait3A_85 : memref<!tpu.dma_semaphore, #tpu.memory_space<semaphore_mem>>) src(%dma_wait3A_83 : memref<1000000x128xf32, #tpu.memory_space<hbm>>) dst(%dma_wait3A_77 : memref<128x128xf32, #tpu.memory_space<vmem>>)
    %add3A_86 = arith.constant 0 : i32
    %add3A_87 = arith.addi %mul3A_2, %add3A_86 : i32
    %add3A_88 = arith.constant 0 : i32
    %add3A_89 = arith.addi %add3A_87, %add3A_88 : i32
    %mul3A_90 = arith.constant 128 : i32
    %mul3A_91 = arith.muli %add3A_89, %mul3A_90 : i32
    %dma_start3A_92 = arith.constant 0 : i32
    %dma_start3A_93 = arith.constant 0 : i32
    %dma_start3A_94 = arith.constant 0 : i32
    %dma_start3A_95 = arith.constant 0 : i32
    %dma_start3A_96 = arith.constant 0 : i32
    %dma_start3A_97 = arith.constant 0 : i32
    %dma_start3A_98 = tpu.memref_slice %arg6[%dma_start3A_92, %dma_start3A_93, %dma_start3A_96, %dma_start3A_97] : memref<2x2x128x128xf32, #tpu.memory_space<vmem>> -> memref<1x1x128x128xf32, #tpu.memory_space<vmem>>
    %dma_start3A_99 = tpu.memref_squeeze %dma_start3A_98 : memref<1x1x128x128xf32, #tpu.memory_space<vmem>> -> memref<128x128xf32, #tpu.memory_space<vmem>>
    %dma_start3A_100 = arith.constant 0 : i32
    %dma_start3A_101 = tpu.memref_slice %arg4[%mul3A_91, %dma_start3A_100] : memref<819200x128xf32, #tpu.memory_space<hbm>> -> memref<128x128xf32, #tpu.memory_space<hbm>>
    %dma_start3A_102 = tpu.memref_slice %arg8[%dma_start3A_94, %dma_start3A_95] : memref<2x2x!tpu.dma_semaphore, #tpu.memory_space<semaphore_mem>> -> memref<1x1x!tpu.dma_semaphore, #tpu.memory_space<semaphore_mem>>
    %dma_start3A_103 = tpu.memref_squeeze %dma_start3A_102 : memref<1x1x!tpu.dma_semaphore, #tpu.memory_space<semaphore_mem>> -> memref<!tpu.dma_semaphore, #tpu.memory_space<semaphore_mem>>
    %dma_start3A_104 = arith.constant 0 : i32
    %dma_start3A_105 = tpu.memref_slice %arg4[%mul3A_91, %dma_start3A_104] : memref<819200x128xf32, #tpu.memory_space<hbm>> -> memref<128x128xf32, #tpu.memory_space<hbm>>
    %dma_start3A_106 = arith.constant 0 : i32
    %dma_start3A_107 = arith.constant 0 : i32
    %dma_start3A_108 = tpu.memref_slice %arg6[%dma_start3A_92, %dma_start3A_93, %dma_start3A_106, %dma_start3A_107] : memref<2x2x128x128xf32, #tpu.memory_space<vmem>> -> memref<1x1x128x128xf32, #tpu.memory_space<vmem>>
    %dma_start3A_109 = tpu.memref_squeeze %dma_start3A_108 : memref<1x1x128x128xf32, #tpu.memory_space<vmem>> -> memref<128x128xf32, #tpu.memory_space<vmem>>
    tpu.enqueue_dma source(%dma_start3A_109 : memref<128x128xf32, #tpu.memory_space<vmem>>) target(%dma_start3A_105 : memref<128x128xf32, #tpu.memory_space<hbm>>) target_semaphore(%dma_start3A_103 : memref<!tpu.dma_semaphore, #tpu.memory_space<semaphore_mem>>)
    %dma_wait3A_110 = arith.constant 1 : i32
    %dma_wait3A_111 = arith.constant 0 : i32
    %dma_wait3A_112 = arith.constant 1 : i32
    %dma_wait3A_113 = arith.constant 0 : i32
    %dma_wait3A_114 = arith.constant 1 : i32
    %dma_wait3A_115 = arith.constant 0 : i32
    %dma_wait3A_116 = arith.constant 0 : i32
    %dma_wait3A_117 = tpu.memref_slice %arg6[%dma_wait3A_111, %dma_wait3A_112, %dma_wait3A_115, %dma_wait3A_116] : memref<2x2x128x128xf32, #tpu.memory_space<vmem>> -> memref<1x1x128x128xf32, #tpu.memory_space<vmem>>
    %dma_wait3A_118 = tpu.memref_squeeze %dma_wait3A_117 : memref<1x1x128x128xf32, #tpu.memory_space<vmem>> -> memref<128x128xf32, #tpu.memory_space<vmem>>
    %dma_wait3A_119 = arith.constant 0 : i32
    %dma_wait3A_120 = tpu.memref_slice %arg5[%dma_wait3A_110, %dma_wait3A_119] : memref<200x128xi32, #tpu.memory_space<vmem>> -> memref<1x128xi32, #tpu.memory_space<vmem>>
    %dma_wait3A_121 = tpu.memref_squeeze %dma_wait3A_120 : memref<1x128xi32, #tpu.memory_space<vmem>> -> memref<128xi32, #tpu.memory_space<vmem>>
    %dma_wait3A_122 = arith.constant 0 : i32
    %dma_wait3A_123 = arith.constant 0 : i32
    %dma_wait3A_124 = tpu.memref_slice %arg3[%dma_wait3A_122, %dma_wait3A_123] : memref<1000000x128xf32, #tpu.memory_space<hbm>> -> memref<1000000x128xf32, #tpu.memory_space<hbm>>
    %dma_wait3A_125 = tpu.memref_slice %arg7[%dma_wait3A_113, %dma_wait3A_114] : memref<2x2x!tpu.dma_semaphore, #tpu.memory_space<semaphore_mem>> -> memref<1x1x!tpu.dma_semaphore, #tpu.memory_space<semaphore_mem>>
    %dma_wait3A_126 = tpu.memref_squeeze %dma_wait3A_125 : memref<1x1x!tpu.dma_semaphore, #tpu.memory_space<semaphore_mem>> -> memref<!tpu.dma_semaphore, #tpu.memory_space<semaphore_mem>>
    tpu.wait_indirect_dma semaphore(%dma_wait3A_126 : memref<!tpu.dma_semaphore, #tpu.memory_space<semaphore_mem>>) src(%dma_wait3A_124 : memref<1000000x128xf32, #tpu.memory_space<hbm>>) dst(%dma_wait3A_118 : memref<128x128xf32, #tpu.memory_space<vmem>>)
    %add3A_127 = arith.constant 0 : i32
    %add3A_128 = arith.addi %mul3A_2, %add3A_127 : i32
    %add3A_129 = arith.constant 1 : i32
    %add3A_130 = arith.addi %add3A_128, %add3A_129 : i32
    %mul3A_131 = arith.constant 128 : i32
    %mul3A_132 = arith.muli %add3A_130, %mul3A_131 : i32
    %dma_start3A_133 = arith.constant 0 : i32
    %dma_start3A_134 = arith.constant 1 : i32
    %dma_start3A_135 = arith.constant 0 : i32
    %dma_start3A_136 = arith.constant 1 : i32
    %dma_start3A_137 = arith.constant 0 : i32
    %dma_start3A_138 = arith.constant 0 : i32
    %dma_start3A_139 = tpu.memref_slice %arg6[%dma_start3A_133, %dma_start3A_134, %dma_start3A_137, %dma_start3A_138] : memref<2x2x128x128xf32, #tpu.memory_space<vmem>> -> memref<1x1x128x128xf32, #tpu.memory_space<vmem>>
    %dma_start3A_140 = tpu.memref_squeeze %dma_start3A_139 : memref<1x1x128x128xf32, #tpu.memory_space<vmem>> -> memref<128x128xf32, #tpu.memory_space<vmem>>
    %dma_start3A_141 = arith.constant 0 : i32
    %dma_start3A_142 = tpu.memref_slice %arg4[%mul3A_132, %dma_start3A_141] : memref<819200x128xf32, #tpu.memory_space<hbm>> -> memref<128x128xf32, #tpu.memory_space<hbm>>
    %dma_start3A_143 = tpu.memref_slice %arg8[%dma_start3A_135, %dma_start3A_136] : memref<2x2x!tpu.dma_semaphore, #tpu.memory_space<semaphore_mem>> -> memref<1x1x!tpu.dma_semaphore, #tpu.memory_space<semaphore_mem>>
    %dma_start3A_144 = tpu.memref_squeeze %dma_start3A_143 : memref<1x1x!tpu.dma_semaphore, #tpu.memory_space<semaphore_mem>> -> memref<!tpu.dma_semaphore, #tpu.memory_space<semaphore_mem>>
    %dma_start3A_145 = arith.constant 0 : i32
    %dma_start3A_146 = tpu.memref_slice %arg4[%mul3A_132, %dma_start3A_145] : memref<819200x128xf32, #tpu.memory_space<hbm>> -> memref<128x128xf32, #tpu.memory_space<hbm>>
    %dma_start3A_147 = arith.constant 0 : i32
    %dma_start3A_148 = arith.constant 0 : i32
    %dma_start3A_149 = tpu.memref_slice %arg6[%dma_start3A_133, %dma_start3A_134, %dma_start3A_147, %dma_start3A_148] : memref<2x2x128x128xf32, #tpu.memory_space<vmem>> -> memref<1x1x128x128xf32, #tpu.memory_space<vmem>>
    %dma_start3A_150 = tpu.memref_squeeze %dma_start3A_149 : memref<1x1x128x128xf32, #tpu.memory_space<vmem>> -> memref<128x128xf32, #tpu.memory_space<vmem>>
    tpu.enqueue_dma source(%dma_start3A_150 : memref<128x128xf32, #tpu.memory_space<vmem>>) target(%dma_start3A_146 : memref<128x128xf32, #tpu.memory_space<hbm>>) target_semaphore(%dma_start3A_144 : memref<!tpu.dma_semaphore, #tpu.memory_space<semaphore_mem>>)
    %add3A_151 = arith.constant 0 : i32
    %add3A_152 = arith.addi %mul3A_2, %add3A_151 : i32
    %add3A_153 = arith.constant 0 : i32
    %add3A_154 = arith.addi %add3A_152, %add3A_153 : i32
    %mul3A_155 = arith.constant 128 : i32
    %mul3A_156 = arith.muli %add3A_154, %mul3A_155 : i32
    %dma_wait3A_157 = arith.constant 0 : i32
    %dma_wait3A_158 = arith.constant 0 : i32
    %dma_wait3A_159 = arith.constant 0 : i32
    %dma_wait3A_160 = arith.constant 0 : i32
    %dma_wait3A_161 = arith.constant 0 : i32
    %dma_wait3A_162 = arith.constant 0 : i32
    %dma_wait3A_163 = tpu.memref_slice %arg6[%dma_wait3A_157, %dma_wait3A_158, %dma_wait3A_161, %dma_wait3A_162] : memref<2x2x128x128xf32, #tpu.memory_space<vmem>> -> memref<1x1x128x128xf32, #tpu.memory_space<vmem>>
    %dma_wait3A_164 = tpu.memref_squeeze %dma_wait3A_163 : memref<1x1x128x128xf32, #tpu.memory_space<vmem>> -> memref<128x128xf32, #tpu.memory_space<vmem>>
    %dma_wait3A_165 = arith.constant 0 : i32
    %dma_wait3A_166 = tpu.memref_slice %arg4[%mul3A_156, %dma_wait3A_165] : memref<819200x128xf32, #tpu.memory_space<hbm>> -> memref<128x128xf32, #tpu.memory_space<hbm>>
    %dma_wait3A_167 = tpu.memref_slice %arg8[%dma_wait3A_159, %dma_wait3A_160] : memref<2x2x!tpu.dma_semaphore, #tpu.memory_space<semaphore_mem>> -> memref<1x1x!tpu.dma_semaphore, #tpu.memory_space<semaphore_mem>>
    %dma_wait3A_168 = tpu.memref_squeeze %dma_wait3A_167 : memref<1x1x!tpu.dma_semaphore, #tpu.memory_space<semaphore_mem>> -> memref<!tpu.dma_semaphore, #tpu.memory_space<semaphore_mem>>
    %dma_wait3A_169 = arith.constant 0 : i32
    %dma_wait3A_170 = tpu.memref_slice %arg4[%mul3A_156, %dma_wait3A_169] : memref<819200x128xf32, #tpu.memory_space<hbm>> -> memref<128x128xf32, #tpu.memory_space<hbm>>
    %dma_wait3A_171 = arith.constant 0 : i32
    %dma_wait3A_172 = arith.constant 0 : i32
    %dma_wait3A_173 = tpu.memref_slice %arg6[%dma_wait3A_157, %dma_wait3A_158, %dma_wait3A_171, %dma_wait3A_172] : memref<2x2x128x128xf32, #tpu.memory_space<vmem>> -> memref<1x1x128x128xf32, #tpu.memory_space<vmem>>
    %dma_wait3A_174 = tpu.memref_squeeze %dma_wait3A_173 : memref<1x1x128x128xf32, #tpu.memory_space<vmem>> -> memref<128x128xf32, #tpu.memory_space<vmem>>
    tpu.wait_dma2 semaphore(%dma_wait3A_168 : memref<!tpu.dma_semaphore, #tpu.memory_space<semaphore_mem>>) src(%dma_wait3A_174 : memref<128x128xf32, #tpu.memory_space<vmem>>) dst(%dma_wait3A_170 : memref<128x128xf32, #tpu.memory_space<hbm>>)
    %add3A_175 = arith.constant 0 : i32
    %add3A_176 = arith.addi %mul3A_2, %add3A_175 : i32
    %add3A_177 = arith.constant 1 : i32
    %add3A_178 = arith.addi %add3A_176, %add3A_177 : i32
    %mul3A_179 = arith.constant 128 : i32
    %mul3A_180 = arith.muli %add3A_178, %mul3A_179 : i32
    %dma_wait3A_181 = arith.constant 0 : i32
    %dma_wait3A_182 = arith.constant 1 : i32
    %dma_wait3A_183 = arith.constant 0 : i32
    %dma_wait3A_184 = arith.constant 1 : i32
    %dma_wait3A_185 = arith.constant 0 : i32
    %dma_wait3A_186 = arith.constant 0 : i32
    %dma_wait3A_187 = tpu.memref_slice %arg6[%dma_wait3A_181, %dma_wait3A_182, %dma_wait3A_185, %dma_wait3A_186] : memref<2x2x128x128xf32, #tpu.memory_space<vmem>> -> memref<1x1x128x128xf32, #tpu.memory_space<vmem>>
    %dma_wait3A_188 = tpu.memref_squeeze %dma_wait3A_187 : memref<1x1x128x128xf32, #tpu.memory_space<vmem>> -> memref<128x128xf32, #tpu.memory_space<vmem>>
    %dma_wait3A_189 = arith.constant 0 : i32
    %dma_wait3A_190 = tpu.memref_slice %arg4[%mul3A_180, %dma_wait3A_189] : memref<819200x128xf32, #tpu.memory_space<hbm>> -> memref<128x128xf32, #tpu.memory_space<hbm>>
    %dma_wait3A_191 = tpu.memref_slice %arg8[%dma_wait3A_183, %dma_wait3A_184] : memref<2x2x!tpu.dma_semaphore, #tpu.memory_space<semaphore_mem>> -> memref<1x1x!tpu.dma_semaphore, #tpu.memory_space<semaphore_mem>>
    %dma_wait3A_192 = tpu.memref_squeeze %dma_wait3A_191 : memref<1x1x!tpu.dma_semaphore, #tpu.memory_space<semaphore_mem>> -> memref<!tpu.dma_semaphore, #tpu.memory_space<semaphore_mem>>
    %dma_wait3A_193 = arith.constant 0 : i32
    %dma_wait3A_194 = tpu.memref_slice %arg4[%mul3A_180, %dma_wait3A_193] : memref<819200x128xf32, #tpu.memory_space<hbm>> -> memref<128x128xf32, #tpu.memory_space<hbm>>
    %dma_wait3A_195 = arith.constant 0 : i32
    %dma_wait3A_196 = arith.constant 0 : i32
    %dma_wait3A_197 = tpu.memref_slice %arg6[%dma_wait3A_181, %dma_wait3A_182, %dma_wait3A_195, %dma_wait3A_196] : memref<2x2x128x128xf32, #tpu.memory_space<vmem>> -> memref<1x1x128x128xf32, #tpu.memory_space<vmem>>
    %dma_wait3A_198 = tpu.memref_squeeze %dma_wait3A_197 : memref<1x1x128x128xf32, #tpu.memory_space<vmem>> -> memref<128x128xf32, #tpu.memory_space<vmem>>
    tpu.wait_dma2 semaphore(%dma_wait3A_192 : memref<!tpu.dma_semaphore, #tpu.memory_space<semaphore_mem>>) src(%dma_wait3A_198 : memref<128x128xf32, #tpu.memory_space<vmem>>) dst(%dma_wait3A_194 : memref<128x128xf32, #tpu.memory_space<hbm>>)
    %dma_start3A_199 = arith.constant 4 : i32
    %dma_start3A_200 = arith.constant 0 : i32
    %dma_start3A_201 = arith.constant 0 : i32
    %dma_start3A_202 = arith.constant 0 : i32
    %dma_start3A_203 = arith.constant 0 : i32
    %dma_start3A_204 = arith.constant 0 : i32
    %dma_start3A_205 = arith.constant 0 : i32
    %dma_start3A_206 = tpu.memref_slice %arg6[%dma_start3A_200, %dma_start3A_201, %dma_start3A_204, %dma_start3A_205] : memref<2x2x128x128xf32, #tpu.memory_space<vmem>> -> memref<1x1x128x128xf32, #tpu.memory_space<vmem>>
    %dma_start3A_207 = tpu.memref_squeeze %dma_start3A_206 : memref<1x1x128x128xf32, #tpu.memory_space<vmem>> -> memref<128x128xf32, #tpu.memory_space<vmem>>
    %dma_start3A_208 = arith.constant 0 : i32
    %dma_start3A_209 = tpu.memref_slice %arg5[%dma_start3A_199, %dma_start3A_208] : memref<200x128xi32, #tpu.memory_space<vmem>> -> memref<1x128xi32, #tpu.memory_space<vmem>>
    %dma_start3A_210 = tpu.memref_squeeze %dma_start3A_209 : memref<1x128xi32, #tpu.memory_space<vmem>> -> memref<128xi32, #tpu.memory_space<vmem>>
    %dma_start3A_211 = arith.constant 0 : i32
    %dma_start3A_212 = arith.constant 0 : i32
    %dma_start3A_213 = tpu.memref_slice %arg3[%dma_start3A_211, %dma_start3A_212] : memref<1000000x128xf32, #tpu.memory_space<hbm>> -> memref<1000000x128xf32, #tpu.memory_space<hbm>>
    %dma_start3A_214 = tpu.memref_slice %arg7[%dma_start3A_202, %dma_start3A_203] : memref<2x2x!tpu.dma_semaphore, #tpu.memory_space<semaphore_mem>> -> memref<1x1x!tpu.dma_semaphore, #tpu.memory_space<semaphore_mem>>
    %dma_start3A_215 = tpu.memref_squeeze %dma_start3A_214 : memref<1x1x!tpu.dma_semaphore, #tpu.memory_space<semaphore_mem>> -> memref<!tpu.dma_semaphore, #tpu.memory_space<semaphore_mem>>
    tpu.enqueue_indirect_dma source(%dma_start3A_213 : memref<1000000x128xf32, #tpu.memory_space<hbm>>) target(%dma_start3A_207 : memref<128x128xf32, #tpu.memory_space<vmem>>) offsets(%dma_start3A_210 : memref<128xi32, #tpu.memory_space<vmem>>) semaphore(%dma_start3A_215 : memref<!tpu.dma_semaphore, #tpu.memory_space<semaphore_mem>>)
    %dma_start3A_216 = arith.constant 5 : i32
    %dma_start3A_217 = arith.constant 0 : i32
    %dma_start3A_218 = arith.constant 1 : i32
    %dma_start3A_219 = arith.constant 0 : i32
    %dma_start3A_220 = arith.constant 1 : i32
    %dma_start3A_221 = arith.constant 0 : i32
    %dma_start3A_222 = arith.constant 0 : i32
    %dma_start3A_223 = tpu.memref_slice %arg6[%dma_start3A_217, %dma_start3A_218, %dma_start3A_221, %dma_start3A_222] : memref<2x2x128x128xf32, #tpu.memory_space<vmem>> -> memref<1x1x128x128xf32, #tpu.memory_space<vmem>>
    %dma_start3A_224 = tpu.memref_squeeze %dma_start3A_223 : memref<1x1x128x128xf32, #tpu.memory_space<vmem>> -> memref<128x128xf32, #tpu.memory_space<vmem>>
    %dma_start3A_225 = arith.constant 0 : i32
    %dma_start3A_226 = tpu.memref_slice %arg5[%dma_start3A_216, %dma_start3A_225] : memref<200x128xi32, #tpu.memory_space<vmem>> -> memref<1x128xi32, #tpu.memory_space<vmem>>
    %dma_start3A_227 = tpu.memref_squeeze %dma_start3A_226 : memref<1x128xi32, #tpu.memory_space<vmem>> -> memref<128xi32, #tpu.memory_space<vmem>>
    %dma_start3A_228 = arith.constant 0 : i32
    %dma_start3A_229 = arith.constant 0 : i32
    %dma_start3A_230 = tpu.memref_slice %arg3[%dma_start3A_228, %dma_start3A_229] : memref<1000000x128xf32, #tpu.memory_space<hbm>> -> memref<1000000x128xf32, #tpu.memory_space<hbm>>
    %dma_start3A_231 = tpu.memref_slice %arg7[%dma_start3A_219, %dma_start3A_220] : memref<2x2x!tpu.dma_semaphore, #tpu.memory_space<semaphore_mem>> -> memref<1x1x!tpu.dma_semaphore, #tpu.memory_space<semaphore_mem>>
    %dma_start3A_232 = tpu.memref_squeeze %dma_start3A_231 : memref<1x1x!tpu.dma_semaphore, #tpu.memory_space<semaphore_mem>> -> memref<!tpu.dma_semaphore, #tpu.memory_space<semaphore_mem>>
    tpu.enqueue_indirect_dma source(%dma_start3A_230 : memref<1000000x128xf32, #tpu.memory_space<hbm>>) target(%dma_start3A_224 : memref<128x128xf32, #tpu.memory_space<vmem>>) offsets(%dma_start3A_227 : memref<128xi32, #tpu.memory_space<vmem>>) semaphore(%dma_start3A_232 : memref<!tpu.dma_semaphore, #tpu.memory_space<semaphore_mem>>)
    %dma_wait3A_233 = arith.constant 2 : i32
    %dma_wait3A_234 = arith.constant 1 : i32
    %dma_wait3A_235 = arith.constant 0 : i32
    %dma_wait3A_236 = arith.constant 1 : i32
    %dma_wait3A_237 = arith.constant 0 : i32
    %dma_wait3A_238 = arith.constant 0 : i32
    %dma_wait3A_239 = arith.constant 0 : i32
    %dma_wait3A_240 = tpu.memref_slice %arg6[%dma_wait3A_234, %dma_wait3A_235, %dma_wait3A_238, %dma_wait3A_239] : memref<2x2x128x128xf32, #tpu.memory_space<vmem>> -> memref<1x1x128x128xf32, #tpu.memory_space<vmem>>
    %dma_wait3A_241 = tpu.memref_squeeze %dma_wait3A_240 : memref<1x1x128x128xf32, #tpu.memory_space<vmem>> -> memref<128x128xf32, #tpu.memory_space<vmem>>
    %dma_wait3A_242 = arith.constant 0 : i32
    %dma_wait3A_243 = tpu.memref_slice %arg5[%dma_wait3A_233, %dma_wait3A_242] : memref<200x128xi32, #tpu.memory_space<vmem>> -> memref<1x128xi32, #tpu.memory_space<vmem>>
    %dma_wait3A_244 = tpu.memref_squeeze %dma_wait3A_243 : memref<1x128xi32, #tpu.memory_space<vmem>> -> memref<128xi32, #tpu.memory_space<vmem>>
    %dma_wait3A_245 = arith.constant 0 : i32
    %dma_wait3A_246 = arith.constant 0 : i32
    %dma_wait3A_247 = tpu.memref_slice %arg3[%dma_wait3A_245, %dma_wait3A_246] : memref<1000000x128xf32, #tpu.memory_space<hbm>> -> memref<1000000x128xf32, #tpu.memory_space<hbm>>
    %dma_wait3A_248 = tpu.memref_slice %arg7[%dma_wait3A_236, %dma_wait3A_237] : memref<2x2x!tpu.dma_semaphore, #tpu.memory_space<semaphore_mem>> -> memref<1x1x!tpu.dma_semaphore, #tpu.memory_space<semaphore_mem>>
    %dma_wait3A_249 = tpu.memref_squeeze %dma_wait3A_248 : memref<1x1x!tpu.dma_semaphore, #tpu.memory_space<semaphore_mem>> -> memref<!tpu.dma_semaphore, #tpu.memory_space<semaphore_mem>>
    tpu.wait_indirect_dma semaphore(%dma_wait3A_249 : memref<!tpu.dma_semaphore, #tpu.memory_space<semaphore_mem>>) src(%dma_wait3A_247 : memref<1000000x128xf32, #tpu.memory_space<hbm>>) dst(%dma_wait3A_241 : memref<128x128xf32, #tpu.memory_space<vmem>>)
    %add3A_250 = arith.constant 2 : i32
    %add3A_251 = arith.addi %mul3A_2, %add3A_250 : i32
    %add3A_252 = arith.constant 0 : i32
    %add3A_253 = arith.addi %add3A_251, %add3A_252 : i32
    %mul3A_254 = arith.constant 128 : i32
    %mul3A_255 = arith.muli %add3A_253, %mul3A_254 : i32
    %dma_start3A_256 = arith.constant 1 : i32
    %dma_start3A_257 = arith.constant 0 : i32
    %dma_start3A_258 = arith.constant 1 : i32
    %dma_start3A_259 = arith.constant 0 : i32
    %dma_start3A_260 = arith.constant 0 : i32
    %dma_start3A_261 = arith.constant 0 : i32
    %dma_start3A_262 = tpu.memref_slice %arg6[%dma_start3A_256, %dma_start3A_257, %dma_start3A_260, %dma_start3A_261] : memref<2x2x128x128xf32, #tpu.memory_space<vmem>> -> memref<1x1x128x128xf32, #tpu.memory_space<vmem>>
    %dma_start3A_263 = tpu.memref_squeeze %dma_start3A_262 : memref<1x1x128x128xf32, #tpu.memory_space<vmem>> -> memref<128x128xf32, #tpu.memory_space<vmem>>
    %dma_start3A_264 = arith.constant 0 : i32
    %dma_start3A_265 = tpu.memref_slice %arg4[%mul3A_255, %dma_start3A_264] : memref<819200x128xf32, #tpu.memory_space<hbm>> -> memref<128x128xf32, #tpu.memory_space<hbm>>
    %dma_start3A_266 = tpu.memref_slice %arg8[%dma_start3A_258, %dma_start3A_259] : memref<2x2x!tpu.dma_semaphore, #tpu.memory_space<semaphore_mem>> -> memref<1x1x!tpu.dma_semaphore, #tpu.memory_space<semaphore_mem>>
    %dma_start3A_267 = tpu.memref_squeeze %dma_start3A_266 : memref<1x1x!tpu.dma_semaphore, #tpu.memory_space<semaphore_mem>> -> memref<!tpu.dma_semaphore, #tpu.memory_space<semaphore_mem>>
    %dma_start3A_268 = arith.constant 0 : i32
    %dma_start3A_269 = tpu.memref_slice %arg4[%mul3A_255, %dma_start3A_268] : memref<819200x128xf32, #tpu.memory_space<hbm>> -> memref<128x128xf32, #tpu.memory_space<hbm>>
    %dma_start3A_270 = arith.constant 0 : i32
    %dma_start3A_271 = arith.constant 0 : i32
    %dma_start3A_272 = tpu.memref_slice %arg6[%dma_start3A_256, %dma_start3A_257, %dma_start3A_270, %dma_start3A_271] : memref<2x2x128x128xf32, #tpu.memory_space<vmem>> -> memref<1x1x128x128xf32, #tpu.memory_space<vmem>>
    %dma_start3A_273 = tpu.memref_squeeze %dma_start3A_272 : memref<1x1x128x128xf32, #tpu.memory_space<vmem>> -> memref<128x128xf32, #tpu.memory_space<vmem>>
    tpu.enqueue_dma source(%dma_start3A_273 : memref<128x128xf32, #tpu.memory_space<vmem>>) target(%dma_start3A_269 : memref<128x128xf32, #tpu.memory_space<hbm>>) target_semaphore(%dma_start3A_267 : memref<!tpu.dma_semaphore, #tpu.memory_space<semaphore_mem>>)
    %dma_wait3A_274 = arith.constant 3 : i32
    %dma_wait3A_275 = arith.constant 1 : i32
    %dma_wait3A_276 = arith.constant 1 : i32
    %dma_wait3A_277 = arith.constant 1 : i32
    %dma_wait3A_278 = arith.constant 1 : i32
    %dma_wait3A_279 = arith.constant 0 : i32
    %dma_wait3A_280 = arith.constant 0 : i32
    %dma_wait3A_281 = tpu.memref_slice %arg6[%dma_wait3A_275, %dma_wait3A_276, %dma_wait3A_279, %dma_wait3A_280] : memref<2x2x128x128xf32, #tpu.memory_space<vmem>> -> memref<1x1x128x128xf32, #tpu.memory_space<vmem>>
    %dma_wait3A_282 = tpu.memref_squeeze %dma_wait3A_281 : memref<1x1x128x128xf32, #tpu.memory_space<vmem>> -> memref<128x128xf32, #tpu.memory_space<vmem>>
    %dma_wait3A_283 = arith.constant 0 : i32
    %dma_wait3A_284 = tpu.memref_slice %arg5[%dma_wait3A_274, %dma_wait3A_283] : memref<200x128xi32, #tpu.memory_space<vmem>> -> memref<1x128xi32, #tpu.memory_space<vmem>>
    %dma_wait3A_285 = tpu.memref_squeeze %dma_wait3A_284 : memref<1x128xi32, #tpu.memory_space<vmem>> -> memref<128xi32, #tpu.memory_space<vmem>>
    %dma_wait3A_286 = arith.constant 0 : i32
    %dma_wait3A_287 = arith.constant 0 : i32
    %dma_wait3A_288 = tpu.memref_slice %arg3[%dma_wait3A_286, %dma_wait3A_287] : memref<1000000x128xf32, #tpu.memory_space<hbm>> -> memref<1000000x128xf32, #tpu.memory_space<hbm>>
    %dma_wait3A_289 = tpu.memref_slice %arg7[%dma_wait3A_277, %dma_wait3A_278] : memref<2x2x!tpu.dma_semaphore, #tpu.memory_space<semaphore_mem>> -> memref<1x1x!tpu.dma_semaphore, #tpu.memory_space<semaphore_mem>>
    %dma_wait3A_290 = tpu.memref_squeeze %dma_wait3A_289 : memref<1x1x!tpu.dma_semaphore, #tpu.memory_space<semaphore_mem>> -> memref<!tpu.dma_semaphore, #tpu.memory_space<semaphore_mem>>
    tpu.wait_indirect_dma semaphore(%dma_wait3A_290 : memref<!tpu.dma_semaphore, #tpu.memory_space<semaphore_mem>>) src(%dma_wait3A_288 : memref<1000000x128xf32, #tpu.memory_space<hbm>>) dst(%dma_wait3A_282 : memref<128x128xf32, #tpu.memory_space<vmem>>)
    %add3A_291 = arith.constant 2 : i32
    %add3A_292 = arith.addi %mul3A_2, %add3A_291 : i32
    %add3A_293 = arith.constant 1 : i32
    %add3A_294 = arith.addi %add3A_292, %add3A_293 : i32
    %mul3A_295 = arith.constant 128 : i32
    %mul3A_296 = arith.muli %add3A_294, %mul3A_295 : i32
    %dma_start3A_297 = arith.constant 1 : i32
    %dma_start3A_298 = arith.constant 1 : i32
    %dma_start3A_299 = arith.constant 1 : i32
    %dma_start3A_300 = arith.constant 1 : i32
    %dma_start3A_301 = arith.constant 0 : i32
    %dma_start3A_302 = arith.constant 0 : i32
    %dma_start3A_303 = tpu.memref_slice %arg6[%dma_start3A_297, %dma_start3A_298, %dma_start3A_301, %dma_start3A_302] : memref<2x2x128x128xf32, #tpu.memory_space<vmem>> -> memref<1x1x128x128xf32, #tpu.memory_space<vmem>>
    %dma_start3A_304 = tpu.memref_squeeze %dma_start3A_303 : memref<1x1x128x128xf32, #tpu.memory_space<vmem>> -> memref<128x128xf32, #tpu.memory_space<vmem>>
    %dma_start3A_305 = arith.constant 0 : i32
    %dma_start3A_306 = tpu.memref_slice %arg4[%mul3A_296, %dma_start3A_305] : memref<819200x128xf32, #tpu.memory_space<hbm>> -> memref<128x128xf32, #tpu.memory_space<hbm>>
    %dma_start3A_307 = tpu.memref_slice %arg8[%dma_start3A_299, %dma_start3A_300] : memref<2x2x!tpu.dma_semaphore, #tpu.memory_space<semaphore_mem>> -> memref<1x1x!tpu.dma_semaphore, #tpu.memory_space<semaphore_mem>>
    %dma_start3A_308 = tpu.memref_squeeze %dma_start3A_307 : memref<1x1x!tpu.dma_semaphore, #tpu.memory_space<semaphore_mem>> -> memref<!tpu.dma_semaphore, #tpu.memory_space<semaphore_mem>>
    %dma_start3A_309 = arith.constant 0 : i32
    %dma_start3A_310 = tpu.memref_slice %arg4[%mul3A_296, %dma_start3A_309] : memref<819200x128xf32, #tpu.memory_space<hbm>> -> memref<128x128xf32, #tpu.memory_space<hbm>>
    %dma_start3A_311 = arith.constant 0 : i32
    %dma_start3A_312 = arith.constant 0 : i32
    %dma_start3A_313 = tpu.memref_slice %arg6[%dma_start3A_297, %dma_start3A_298, %dma_start3A_311, %dma_start3A_312] : memref<2x2x128x128xf32, #tpu.memory_space<vmem>> -> memref<1x1x128x128xf32, #tpu.memory_space<vmem>>
    %dma_start3A_314 = tpu.memref_squeeze %dma_start3A_313 : memref<1x1x128x128xf32, #tpu.memory_space<vmem>> -> memref<128x128xf32, #tpu.memory_space<vmem>>
    tpu.enqueue_dma source(%dma_start3A_314 : memref<128x128xf32, #tpu.memory_space<vmem>>) target(%dma_start3A_310 : memref<128x128xf32, #tpu.memory_space<hbm>>) target_semaphore(%dma_start3A_308 : memref<!tpu.dma_semaphore, #tpu.memory_space<semaphore_mem>>)
    %scan3A = arith.constant 0 : i32
    %scan3A_315 = arith.constant 1 : i32
    %scan3A_316 = arith.constant 48 : i32
    %scan3A_317 = arith.addi %scan3A_315, %scan3A_316 : i32
    %scan3A_318 = arith.constant 1 : i32
    scf.for %scan3A_662 = %scan3A_315 to %scan3A_317 step %scan3A_318  : i32 {
      %mul3A_663 = arith.constant 2 : i32
      %mul3A_664 = arith.muli %mul3A_663, %scan3A_662 : i32
      %sub3A = arith.constant 1 : i32
      %sub3A_665 = arith.subi %mul3A_664, %sub3A : i32
      %mul3A_666 = arith.constant 2 : i32
      %mul3A_667 = arith.muli %sub3A_665, %mul3A_666 : i32
      %add3A_668 = arith.addi %mul3A_2, %mul3A_667 : i32
      %add3A_669 = arith.constant 0 : i32
      %add3A_670 = arith.addi %add3A_668, %add3A_669 : i32
      %mul3A_671 = arith.constant 128 : i32
      %mul3A_672 = arith.muli %add3A_670, %mul3A_671 : i32
      %dma_wait3A_673 = arith.constant 1 : i32
      %dma_wait3A_674 = arith.constant 0 : i32
      %dma_wait3A_675 = arith.constant 1 : i32
      %dma_wait3A_676 = arith.constant 0 : i32
      %dma_wait3A_677 = arith.constant 0 : i32
      %dma_wait3A_678 = arith.constant 0 : i32
      %dma_wait3A_679 = tpu.memref_slice %arg6[%dma_wait3A_673, %dma_wait3A_674, %dma_wait3A_677, %dma_wait3A_678] : memref<2x2x128x128xf32, #tpu.memory_space<vmem>> -> memref<1x1x128x128xf32, #tpu.memory_space<vmem>>
      %dma_wait3A_680 = tpu.memref_squeeze %dma_wait3A_679 : memref<1x1x128x128xf32, #tpu.memory_space<vmem>> -> memref<128x128xf32, #tpu.memory_space<vmem>>
      %dma_wait3A_681 = arith.constant 0 : i32
      %dma_wait3A_682 = tpu.memref_slice %arg4[%mul3A_672, %dma_wait3A_681] : memref<819200x128xf32, #tpu.memory_space<hbm>> -> memref<128x128xf32, #tpu.memory_space<hbm>>
      %dma_wait3A_683 = tpu.memref_slice %arg8[%dma_wait3A_675, %dma_wait3A_676] : memref<2x2x!tpu.dma_semaphore, #tpu.memory_space<semaphore_mem>> -> memref<1x1x!tpu.dma_semaphore, #tpu.memory_space<semaphore_mem>>
      %dma_wait3A_684 = tpu.memref_squeeze %dma_wait3A_683 : memref<1x1x!tpu.dma_semaphore, #tpu.memory_space<semaphore_mem>> -> memref<!tpu.dma_semaphore, #tpu.memory_space<semaphore_mem>>
      %dma_wait3A_685 = arith.constant 0 : i32
      %dma_wait3A_686 = tpu.memref_slice %arg4[%mul3A_672, %dma_wait3A_685] : memref<819200x128xf32, #tpu.memory_space<hbm>> -> memref<128x128xf32, #tpu.memory_space<hbm>>
      %dma_wait3A_687 = arith.constant 0 : i32
      %dma_wait3A_688 = arith.constant 0 : i32
      %dma_wait3A_689 = tpu.memref_slice %arg6[%dma_wait3A_673, %dma_wait3A_674, %dma_wait3A_687, %dma_wait3A_688] : memref<2x2x128x128xf32, #tpu.memory_space<vmem>> -> memref<1x1x128x128xf32, #tpu.memory_space<vmem>>
      %dma_wait3A_690 = tpu.memref_squeeze %dma_wait3A_689 : memref<1x1x128x128xf32, #tpu.memory_space<vmem>> -> memref<128x128xf32, #tpu.memory_space<vmem>>
      tpu.wait_dma2 semaphore(%dma_wait3A_684 : memref<!tpu.dma_semaphore, #tpu.memory_space<semaphore_mem>>) src(%dma_wait3A_690 : memref<128x128xf32, #tpu.memory_space<vmem>>) dst(%dma_wait3A_686 : memref<128x128xf32, #tpu.memory_space<hbm>>)
      %sub3A_691 = arith.constant 1 : i32
      %sub3A_692 = arith.subi %mul3A_664, %sub3A_691 : i32
      %mul3A_693 = arith.constant 2 : i32
      %mul3A_694 = arith.muli %sub3A_692, %mul3A_693 : i32
      %add3A_695 = arith.addi %mul3A_2, %mul3A_694 : i32
      %add3A_696 = arith.constant 1 : i32
      %add3A_697 = arith.addi %add3A_695, %add3A_696 : i32
      %mul3A_698 = arith.constant 128 : i32
      %mul3A_699 = arith.muli %add3A_697, %mul3A_698 : i32
      %dma_wait3A_700 = arith.constant 1 : i32
      %dma_wait3A_701 = arith.constant 1 : i32
      %dma_wait3A_702 = arith.constant 1 : i32
      %dma_wait3A_703 = arith.constant 1 : i32
      %dma_wait3A_704 = arith.constant 0 : i32
      %dma_wait3A_705 = arith.constant 0 : i32
      %dma_wait3A_706 = tpu.memref_slice %arg6[%dma_wait3A_700, %dma_wait3A_701, %dma_wait3A_704, %dma_wait3A_705] : memref<2x2x128x128xf32, #tpu.memory_space<vmem>> -> memref<1x1x128x128xf32, #tpu.memory_space<vmem>>
      %dma_wait3A_707 = tpu.memref_squeeze %dma_wait3A_706 : memref<1x1x128x128xf32, #tpu.memory_space<vmem>> -> memref<128x128xf32, #tpu.memory_space<vmem>>
      %dma_wait3A_708 = arith.constant 0 : i32
      %dma_wait3A_709 = tpu.memref_slice %arg4[%mul3A_699, %dma_wait3A_708] : memref<819200x128xf32, #tpu.memory_space<hbm>> -> memref<128x128xf32, #tpu.memory_space<hbm>>
      %dma_wait3A_710 = tpu.memref_slice %arg8[%dma_wait3A_702, %dma_wait3A_703] : memref<2x2x!tpu.dma_semaphore, #tpu.memory_space<semaphore_mem>> -> memref<1x1x!tpu.dma_semaphore, #tpu.memory_space<semaphore_mem>>
      %dma_wait3A_711 = tpu.memref_squeeze %dma_wait3A_710 : memref<1x1x!tpu.dma_semaphore, #tpu.memory_space<semaphore_mem>> -> memref<!tpu.dma_semaphore, #tpu.memory_space<semaphore_mem>>
      %dma_wait3A_712 = arith.constant 0 : i32
      %dma_wait3A_713 = tpu.memref_slice %arg4[%mul3A_699, %dma_wait3A_712] : memref<819200x128xf32, #tpu.memory_space<hbm>> -> memref<128x128xf32, #tpu.memory_space<hbm>>
      %dma_wait3A_714 = arith.constant 0 : i32
      %dma_wait3A_715 = arith.constant 0 : i32
      %dma_wait3A_716 = tpu.memref_slice %arg6[%dma_wait3A_700, %dma_wait3A_701, %dma_wait3A_714, %dma_wait3A_715] : memref<2x2x128x128xf32, #tpu.memory_space<vmem>> -> memref<1x1x128x128xf32, #tpu.memory_space<vmem>>
      %dma_wait3A_717 = tpu.memref_squeeze %dma_wait3A_716 : memref<1x1x128x128xf32, #tpu.memory_space<vmem>> -> memref<128x128xf32, #tpu.memory_space<vmem>>
      tpu.wait_dma2 semaphore(%dma_wait3A_711 : memref<!tpu.dma_semaphore, #tpu.memory_space<semaphore_mem>>) src(%dma_wait3A_717 : memref<128x128xf32, #tpu.memory_space<vmem>>) dst(%dma_wait3A_713 : memref<128x128xf32, #tpu.memory_space<hbm>>)
      %add3A_718 = arith.constant 1 : i32
      %add3A_719 = arith.addi %mul3A_664, %add3A_718 : i32
      %mul3A_720 = arith.constant 2 : i32
      %mul3A_721 = arith.muli %add3A_719, %mul3A_720 : i32
      %add3A_722 = arith.constant 0 : i32
      %add3A_723 = arith.addi %mul3A_721, %add3A_722 : i32
      %dma_start3A_724 = arith.constant 1 : i32
      %dma_start3A_725 = arith.constant 0 : i32
      %dma_start3A_726 = arith.constant 1 : i32
      %dma_start3A_727 = arith.constant 0 : i32
      %dma_start3A_728 = arith.constant 0 : i32
      %dma_start3A_729 = arith.constant 0 : i32
      %dma_start3A_730 = tpu.memref_slice %arg6[%dma_start3A_724, %dma_start3A_725, %dma_start3A_728, %dma_start3A_729] : memref<2x2x128x128xf32, #tpu.memory_space<vmem>> -> memref<1x1x128x128xf32, #tpu.memory_space<vmem>>
      %dma_start3A_731 = tpu.memref_squeeze %dma_start3A_730 : memref<1x1x128x128xf32, #tpu.memory_space<vmem>> -> memref<128x128xf32, #tpu.memory_space<vmem>>
      %dma_start3A_732 = arith.constant 0 : i32
      %dma_start3A_733 = tpu.memref_slice %arg5[%add3A_723, %dma_start3A_732] : memref<200x128xi32, #tpu.memory_space<vmem>> -> memref<1x128xi32, #tpu.memory_space<vmem>>
      %dma_start3A_734 = tpu.memref_squeeze %dma_start3A_733 : memref<1x128xi32, #tpu.memory_space<vmem>> -> memref<128xi32, #tpu.memory_space<vmem>>
      %dma_start3A_735 = arith.constant 0 : i32
      %dma_start3A_736 = arith.constant 0 : i32
      %dma_start3A_737 = tpu.memref_slice %arg3[%dma_start3A_735, %dma_start3A_736] : memref<1000000x128xf32, #tpu.memory_space<hbm>> -> memref<1000000x128xf32, #tpu.memory_space<hbm>>
      %dma_start3A_738 = tpu.memref_slice %arg7[%dma_start3A_726, %dma_start3A_727] : memref<2x2x!tpu.dma_semaphore, #tpu.memory_space<semaphore_mem>> -> memref<1x1x!tpu.dma_semaphore, #tpu.memory_space<semaphore_mem>>
      %dma_start3A_739 = tpu.memref_squeeze %dma_start3A_738 : memref<1x1x!tpu.dma_semaphore, #tpu.memory_space<semaphore_mem>> -> memref<!tpu.dma_semaphore, #tpu.memory_space<semaphore_mem>>
      tpu.enqueue_indirect_dma source(%dma_start3A_737 : memref<1000000x128xf32, #tpu.memory_space<hbm>>) target(%dma_start3A_731 : memref<128x128xf32, #tpu.memory_space<vmem>>) offsets(%dma_start3A_734 : memref<128xi32, #tpu.memory_space<vmem>>) semaphore(%dma_start3A_739 : memref<!tpu.dma_semaphore, #tpu.memory_space<semaphore_mem>>)
      %add3A_740 = arith.constant 1 : i32
      %add3A_741 = arith.addi %mul3A_664, %add3A_740 : i32
      %mul3A_742 = arith.constant 2 : i32
      %mul3A_743 = arith.muli %add3A_741, %mul3A_742 : i32
      %add3A_744 = arith.constant 1 : i32
      %add3A_745 = arith.addi %mul3A_743, %add3A_744 : i32
      %dma_start3A_746 = arith.constant 1 : i32
      %dma_start3A_747 = arith.constant 1 : i32
      %dma_start3A_748 = arith.constant 1 : i32
      %dma_start3A_749 = arith.constant 1 : i32
      %dma_start3A_750 = arith.constant 0 : i32
      %dma_start3A_751 = arith.constant 0 : i32
      %dma_start3A_752 = tpu.memref_slice %arg6[%dma_start3A_746, %dma_start3A_747, %dma_start3A_750, %dma_start3A_751] : memref<2x2x128x128xf32, #tpu.memory_space<vmem>> -> memref<1x1x128x128xf32, #tpu.memory_space<vmem>>
      %dma_start3A_753 = tpu.memref_squeeze %dma_start3A_752 : memref<1x1x128x128xf32, #tpu.memory_space<vmem>> -> memref<128x128xf32, #tpu.memory_space<vmem>>
      %dma_start3A_754 = arith.constant 0 : i32
      %dma_start3A_755 = tpu.memref_slice %arg5[%add3A_745, %dma_start3A_754] : memref<200x128xi32, #tpu.memory_space<vmem>> -> memref<1x128xi32, #tpu.memory_space<vmem>>
      %dma_start3A_756 = tpu.memref_squeeze %dma_start3A_755 : memref<1x128xi32, #tpu.memory_space<vmem>> -> memref<128xi32, #tpu.memory_space<vmem>>
      %dma_start3A_757 = arith.constant 0 : i32
      %dma_start3A_758 = arith.constant 0 : i32
      %dma_start3A_759 = tpu.memref_slice %arg3[%dma_start3A_757, %dma_start3A_758] : memref<1000000x128xf32, #tpu.memory_space<hbm>> -> memref<1000000x128xf32, #tpu.memory_space<hbm>>
      %dma_start3A_760 = tpu.memref_slice %arg7[%dma_start3A_748, %dma_start3A_749] : memref<2x2x!tpu.dma_semaphore, #tpu.memory_space<semaphore_mem>> -> memref<1x1x!tpu.dma_semaphore, #tpu.memory_space<semaphore_mem>>
      %dma_start3A_761 = tpu.memref_squeeze %dma_start3A_760 : memref<1x1x!tpu.dma_semaphore, #tpu.memory_space<semaphore_mem>> -> memref<!tpu.dma_semaphore, #tpu.memory_space<semaphore_mem>>
      tpu.enqueue_indirect_dma source(%dma_start3A_759 : memref<1000000x128xf32, #tpu.memory_space<hbm>>) target(%dma_start3A_753 : memref<128x128xf32, #tpu.memory_space<vmem>>) offsets(%dma_start3A_756 : memref<128xi32, #tpu.memory_space<vmem>>) semaphore(%dma_start3A_761 : memref<!tpu.dma_semaphore, #tpu.memory_space<semaphore_mem>>)
      %mul3A_762 = arith.constant 2 : i32
      %mul3A_763 = arith.muli %mul3A_664, %mul3A_762 : i32
      %add3A_764 = arith.constant 0 : i32
      %add3A_765 = arith.addi %mul3A_763, %add3A_764 : i32
      %dma_wait3A_766 = arith.constant 0 : i32
      %dma_wait3A_767 = arith.constant 0 : i32
      %dma_wait3A_768 = arith.constant 0 : i32
      %dma_wait3A_769 = arith.constant 0 : i32
      %dma_wait3A_770 = arith.constant 0 : i32
      %dma_wait3A_771 = arith.constant 0 : i32
      %dma_wait3A_772 = tpu.memref_slice %arg6[%dma_wait3A_766, %dma_wait3A_767, %dma_wait3A_770, %dma_wait3A_771] : memref<2x2x128x128xf32, #tpu.memory_space<vmem>> -> memref<1x1x128x128xf32, #tpu.memory_space<vmem>>
      %dma_wait3A_773 = tpu.memref_squeeze %dma_wait3A_772 : memref<1x1x128x128xf32, #tpu.memory_space<vmem>> -> memref<128x128xf32, #tpu.memory_space<vmem>>
      %dma_wait3A_774 = arith.constant 0 : i32
      %dma_wait3A_775 = tpu.memref_slice %arg5[%add3A_765, %dma_wait3A_774] : memref<200x128xi32, #tpu.memory_space<vmem>> -> memref<1x128xi32, #tpu.memory_space<vmem>>
      %dma_wait3A_776 = tpu.memref_squeeze %dma_wait3A_775 : memref<1x128xi32, #tpu.memory_space<vmem>> -> memref<128xi32, #tpu.memory_space<vmem>>
      %dma_wait3A_777 = arith.constant 0 : i32
      %dma_wait3A_778 = arith.constant 0 : i32
      %dma_wait3A_779 = tpu.memref_slice %arg3[%dma_wait3A_777, %dma_wait3A_778] : memref<1000000x128xf32, #tpu.memory_space<hbm>> -> memref<1000000x128xf32, #tpu.memory_space<hbm>>
      %dma_wait3A_780 = tpu.memref_slice %arg7[%dma_wait3A_768, %dma_wait3A_769] : memref<2x2x!tpu.dma_semaphore, #tpu.memory_space<semaphore_mem>> -> memref<1x1x!tpu.dma_semaphore, #tpu.memory_space<semaphore_mem>>
      %dma_wait3A_781 = tpu.memref_squeeze %dma_wait3A_780 : memref<1x1x!tpu.dma_semaphore, #tpu.memory_space<semaphore_mem>> -> memref<!tpu.dma_semaphore, #tpu.memory_space<semaphore_mem>>
      tpu.wait_indirect_dma semaphore(%dma_wait3A_781 : memref<!tpu.dma_semaphore, #tpu.memory_space<semaphore_mem>>) src(%dma_wait3A_779 : memref<1000000x128xf32, #tpu.memory_space<hbm>>) dst(%dma_wait3A_773 : memref<128x128xf32, #tpu.memory_space<vmem>>)
      %mul3A_782 = arith.constant 2 : i32
      %mul3A_783 = arith.muli %mul3A_664, %mul3A_782 : i32
      %add3A_784 = arith.addi %mul3A_2, %mul3A_783 : i32
      %add3A_785 = arith.constant 0 : i32
      %add3A_786 = arith.addi %add3A_784, %add3A_785 : i32
      %mul3A_787 = arith.constant 128 : i32
      %mul3A_788 = arith.muli %add3A_786, %mul3A_787 : i32
      %dma_start3A_789 = arith.constant 0 : i32
      %dma_start3A_790 = arith.constant 0 : i32
      %dma_start3A_791 = arith.constant 0 : i32
      %dma_start3A_792 = arith.constant 0 : i32
      %dma_start3A_793 = arith.constant 0 : i32
      %dma_start3A_794 = arith.constant 0 : i32
      %dma_start3A_795 = tpu.memref_slice %arg6[%dma_start3A_789, %dma_start3A_790, %dma_start3A_793, %dma_start3A_794] : memref<2x2x128x128xf32, #tpu.memory_space<vmem>> -> memref<1x1x128x128xf32, #tpu.memory_space<vmem>>
      %dma_start3A_796 = tpu.memref_squeeze %dma_start3A_795 : memref<1x1x128x128xf32, #tpu.memory_space<vmem>> -> memref<128x128xf32, #tpu.memory_space<vmem>>
      %dma_start3A_797 = arith.constant 0 : i32
      %dma_start3A_798 = tpu.memref_slice %arg4[%mul3A_788, %dma_start3A_797] : memref<819200x128xf32, #tpu.memory_space<hbm>> -> memref<128x128xf32, #tpu.memory_space<hbm>>
      %dma_start3A_799 = tpu.memref_slice %arg8[%dma_start3A_791, %dma_start3A_792] : memref<2x2x!tpu.dma_semaphore, #tpu.memory_space<semaphore_mem>> -> memref<1x1x!tpu.dma_semaphore, #tpu.memory_space<semaphore_mem>>
      %dma_start3A_800 = tpu.memref_squeeze %dma_start3A_799 : memref<1x1x!tpu.dma_semaphore, #tpu.memory_space<semaphore_mem>> -> memref<!tpu.dma_semaphore, #tpu.memory_space<semaphore_mem>>
      %dma_start3A_801 = arith.constant 0 : i32
      %dma_start3A_802 = tpu.memref_slice %arg4[%mul3A_788, %dma_start3A_801] : memref<819200x128xf32, #tpu.memory_space<hbm>> -> memref<128x128xf32, #tpu.memory_space<hbm>>
      %dma_start3A_803 = arith.constant 0 : i32
      %dma_start3A_804 = arith.constant 0 : i32
      %dma_start3A_805 = tpu.memref_slice %arg6[%dma_start3A_789, %dma_start3A_790, %dma_start3A_803, %dma_start3A_804] : memref<2x2x128x128xf32, #tpu.memory_space<vmem>> -> memref<1x1x128x128xf32, #tpu.memory_space<vmem>>
      %dma_start3A_806 = tpu.memref_squeeze %dma_start3A_805 : memref<1x1x128x128xf32, #tpu.memory_space<vmem>> -> memref<128x128xf32, #tpu.memory_space<vmem>>
      tpu.enqueue_dma source(%dma_start3A_806 : memref<128x128xf32, #tpu.memory_space<vmem>>) target(%dma_start3A_802 : memref<128x128xf32, #tpu.memory_space<hbm>>) target_semaphore(%dma_start3A_800 : memref<!tpu.dma_semaphore, #tpu.memory_space<semaphore_mem>>)
      %mul3A_807 = arith.constant 2 : i32
      %mul3A_808 = arith.muli %mul3A_664, %mul3A_807 : i32
      %add3A_809 = arith.constant 1 : i32
      %add3A_810 = arith.addi %mul3A_808, %add3A_809 : i32
      %dma_wait3A_811 = arith.constant 0 : i32
      %dma_wait3A_812 = arith.constant 1 : i32
      %dma_wait3A_813 = arith.constant 0 : i32
      %dma_wait3A_814 = arith.constant 1 : i32
      %dma_wait3A_815 = arith.constant 0 : i32
      %dma_wait3A_816 = arith.constant 0 : i32
      %dma_wait3A_817 = tpu.memref_slice %arg6[%dma_wait3A_811, %dma_wait3A_812, %dma_wait3A_815, %dma_wait3A_816] : memref<2x2x128x128xf32, #tpu.memory_space<vmem>> -> memref<1x1x128x128xf32, #tpu.memory_space<vmem>>
      %dma_wait3A_818 = tpu.memref_squeeze %dma_wait3A_817 : memref<1x1x128x128xf32, #tpu.memory_space<vmem>> -> memref<128x128xf32, #tpu.memory_space<vmem>>
      %dma_wait3A_819 = arith.constant 0 : i32
      %dma_wait3A_820 = tpu.memref_slice %arg5[%add3A_810, %dma_wait3A_819] : memref<200x128xi32, #tpu.memory_space<vmem>> -> memref<1x128xi32, #tpu.memory_space<vmem>>
      %dma_wait3A_821 = tpu.memref_squeeze %dma_wait3A_820 : memref<1x128xi32, #tpu.memory_space<vmem>> -> memref<128xi32, #tpu.memory_space<vmem>>
      %dma_wait3A_822 = arith.constant 0 : i32
      %dma_wait3A_823 = arith.constant 0 : i32
      %dma_wait3A_824 = tpu.memref_slice %arg3[%dma_wait3A_822, %dma_wait3A_823] : memref<1000000x128xf32, #tpu.memory_space<hbm>> -> memref<1000000x128xf32, #tpu.memory_space<hbm>>
      %dma_wait3A_825 = tpu.memref_slice %arg7[%dma_wait3A_813, %dma_wait3A_814] : memref<2x2x!tpu.dma_semaphore, #tpu.memory_space<semaphore_mem>> -> memref<1x1x!tpu.dma_semaphore, #tpu.memory_space<semaphore_mem>>
      %dma_wait3A_826 = tpu.memref_squeeze %dma_wait3A_825 : memref<1x1x!tpu.dma_semaphore, #tpu.memory_space<semaphore_mem>> -> memref<!tpu.dma_semaphore, #tpu.memory_space<semaphore_mem>>
      tpu.wait_indirect_dma semaphore(%dma_wait3A_826 : memref<!tpu.dma_semaphore, #tpu.memory_space<semaphore_mem>>) src(%dma_wait3A_824 : memref<1000000x128xf32, #tpu.memory_space<hbm>>) dst(%dma_wait3A_818 : memref<128x128xf32, #tpu.memory_space<vmem>>)
      %mul3A_827 = arith.constant 2 : i32
      %mul3A_828 = arith.muli %mul3A_664, %mul3A_827 : i32
      %add3A_829 = arith.addi %mul3A_2, %mul3A_828 : i32
      %add3A_830 = arith.constant 1 : i32
      %add3A_831 = arith.addi %add3A_829, %add3A_830 : i32
      %mul3A_832 = arith.constant 128 : i32
      %mul3A_833 = arith.muli %add3A_831, %mul3A_832 : i32
      %dma_start3A_834 = arith.constant 0 : i32
      %dma_start3A_835 = arith.constant 1 : i32
      %dma_start3A_836 = arith.constant 0 : i32
      %dma_start3A_837 = arith.constant 1 : i32
      %dma_start3A_838 = arith.constant 0 : i32
      %dma_start3A_839 = arith.constant 0 : i32
      %dma_start3A_840 = tpu.memref_slice %arg6[%dma_start3A_834, %dma_start3A_835, %dma_start3A_838, %dma_start3A_839] : memref<2x2x128x128xf32, #tpu.memory_space<vmem>> -> memref<1x1x128x128xf32, #tpu.memory_space<vmem>>
      %dma_start3A_841 = tpu.memref_squeeze %dma_start3A_840 : memref<1x1x128x128xf32, #tpu.memory_space<vmem>> -> memref<128x128xf32, #tpu.memory_space<vmem>>
      %dma_start3A_842 = arith.constant 0 : i32
      %dma_start3A_843 = tpu.memref_slice %arg4[%mul3A_833, %dma_start3A_842] : memref<819200x128xf32, #tpu.memory_space<hbm>> -> memref<128x128xf32, #tpu.memory_space<hbm>>
      %dma_start3A_844 = tpu.memref_slice %arg8[%dma_start3A_836, %dma_start3A_837] : memref<2x2x!tpu.dma_semaphore, #tpu.memory_space<semaphore_mem>> -> memref<1x1x!tpu.dma_semaphore, #tpu.memory_space<semaphore_mem>>
      %dma_start3A_845 = tpu.memref_squeeze %dma_start3A_844 : memref<1x1x!tpu.dma_semaphore, #tpu.memory_space<semaphore_mem>> -> memref<!tpu.dma_semaphore, #tpu.memory_space<semaphore_mem>>
      %dma_start3A_846 = arith.constant 0 : i32
      %dma_start3A_847 = tpu.memref_slice %arg4[%mul3A_833, %dma_start3A_846] : memref<819200x128xf32, #tpu.memory_space<hbm>> -> memref<128x128xf32, #tpu.memory_space<hbm>>
      %dma_start3A_848 = arith.constant 0 : i32
      %dma_start3A_849 = arith.constant 0 : i32
      %dma_start3A_850 = tpu.memref_slice %arg6[%dma_start3A_834, %dma_start3A_835, %dma_start3A_848, %dma_start3A_849] : memref<2x2x128x128xf32, #tpu.memory_space<vmem>> -> memref<1x1x128x128xf32, #tpu.memory_space<vmem>>
      %dma_start3A_851 = tpu.memref_squeeze %dma_start3A_850 : memref<1x1x128x128xf32, #tpu.memory_space<vmem>> -> memref<128x128xf32, #tpu.memory_space<vmem>>
      tpu.enqueue_dma source(%dma_start3A_851 : memref<128x128xf32, #tpu.memory_space<vmem>>) target(%dma_start3A_847 : memref<128x128xf32, #tpu.memory_space<hbm>>) target_semaphore(%dma_start3A_845 : memref<!tpu.dma_semaphore, #tpu.memory_space<semaphore_mem>>)
      %add3A_852 = arith.constant 1 : i32
      %add3A_853 = arith.addi %mul3A_664, %add3A_852 : i32
      %sub3A_854 = arith.constant 1 : i32
      %sub3A_855 = arith.subi %add3A_853, %sub3A_854 : i32
      %mul3A_856 = arith.constant 2 : i32
      %mul3A_857 = arith.muli %sub3A_855, %mul3A_856 : i32
      %add3A_858 = arith.addi %mul3A_2, %mul3A_857 : i32
      %add3A_859 = arith.constant 0 : i32
      %add3A_860 = arith.addi %add3A_858, %add3A_859 : i32
      %mul3A_861 = arith.constant 128 : i32
      %mul3A_862 = arith.muli %add3A_860, %mul3A_861 : i32
      %dma_wait3A_863 = arith.constant 0 : i32
      %dma_wait3A_864 = arith.constant 0 : i32
      %dma_wait3A_865 = arith.constant 0 : i32
      %dma_wait3A_866 = arith.constant 0 : i32
      %dma_wait3A_867 = arith.constant 0 : i32
      %dma_wait3A_868 = arith.constant 0 : i32
      %dma_wait3A_869 = tpu.memref_slice %arg6[%dma_wait3A_863, %dma_wait3A_864, %dma_wait3A_867, %dma_wait3A_868] : memref<2x2x128x128xf32, #tpu.memory_space<vmem>> -> memref<1x1x128x128xf32, #tpu.memory_space<vmem>>
      %dma_wait3A_870 = tpu.memref_squeeze %dma_wait3A_869 : memref<1x1x128x128xf32, #tpu.memory_space<vmem>> -> memref<128x128xf32, #tpu.memory_space<vmem>>
      %dma_wait3A_871 = arith.constant 0 : i32
      %dma_wait3A_872 = tpu.memref_slice %arg4[%mul3A_862, %dma_wait3A_871] : memref<819200x128xf32, #tpu.memory_space<hbm>> -> memref<128x128xf32, #tpu.memory_space<hbm>>
      %dma_wait3A_873 = tpu.memref_slice %arg8[%dma_wait3A_865, %dma_wait3A_866] : memref<2x2x!tpu.dma_semaphore, #tpu.memory_space<semaphore_mem>> -> memref<1x1x!tpu.dma_semaphore, #tpu.memory_space<semaphore_mem>>
      %dma_wait3A_874 = tpu.memref_squeeze %dma_wait3A_873 : memref<1x1x!tpu.dma_semaphore, #tpu.memory_space<semaphore_mem>> -> memref<!tpu.dma_semaphore, #tpu.memory_space<semaphore_mem>>
      %dma_wait3A_875 = arith.constant 0 : i32
      %dma_wait3A_876 = tpu.memref_slice %arg4[%mul3A_862, %dma_wait3A_875] : memref<819200x128xf32, #tpu.memory_space<hbm>> -> memref<128x128xf32, #tpu.memory_space<hbm>>
      %dma_wait3A_877 = arith.constant 0 : i32
      %dma_wait3A_878 = arith.constant 0 : i32
      %dma_wait3A_879 = tpu.memref_slice %arg6[%dma_wait3A_863, %dma_wait3A_864, %dma_wait3A_877, %dma_wait3A_878] : memref<2x2x128x128xf32, #tpu.memory_space<vmem>> -> memref<1x1x128x128xf32, #tpu.memory_space<vmem>>
      %dma_wait3A_880 = tpu.memref_squeeze %dma_wait3A_879 : memref<1x1x128x128xf32, #tpu.memory_space<vmem>> -> memref<128x128xf32, #tpu.memory_space<vmem>>
      tpu.wait_dma2 semaphore(%dma_wait3A_874 : memref<!tpu.dma_semaphore, #tpu.memory_space<semaphore_mem>>) src(%dma_wait3A_880 : memref<128x128xf32, #tpu.memory_space<vmem>>) dst(%dma_wait3A_876 : memref<128x128xf32, #tpu.memory_space<hbm>>)
      %sub3A_881 = arith.constant 1 : i32
      %sub3A_882 = arith.subi %add3A_853, %sub3A_881 : i32
      %mul3A_883 = arith.constant 2 : i32
      %mul3A_884 = arith.muli %sub3A_882, %mul3A_883 : i32
      %add3A_885 = arith.addi %mul3A_2, %mul3A_884 : i32
      %add3A_886 = arith.constant 1 : i32
      %add3A_887 = arith.addi %add3A_885, %add3A_886 : i32
      %mul3A_888 = arith.constant 128 : i32
      %mul3A_889 = arith.muli %add3A_887, %mul3A_888 : i32
      %dma_wait3A_890 = arith.constant 0 : i32
      %dma_wait3A_891 = arith.constant 1 : i32
      %dma_wait3A_892 = arith.constant 0 : i32
      %dma_wait3A_893 = arith.constant 1 : i32
      %dma_wait3A_894 = arith.constant 0 : i32
      %dma_wait3A_895 = arith.constant 0 : i32
      %dma_wait3A_896 = tpu.memref_slice %arg6[%dma_wait3A_890, %dma_wait3A_891, %dma_wait3A_894, %dma_wait3A_895] : memref<2x2x128x128xf32, #tpu.memory_space<vmem>> -> memref<1x1x128x128xf32, #tpu.memory_space<vmem>>
      %dma_wait3A_897 = tpu.memref_squeeze %dma_wait3A_896 : memref<1x1x128x128xf32, #tpu.memory_space<vmem>> -> memref<128x128xf32, #tpu.memory_space<vmem>>
      %dma_wait3A_898 = arith.constant 0 : i32
      %dma_wait3A_899 = tpu.memref_slice %arg4[%mul3A_889, %dma_wait3A_898] : memref<819200x128xf32, #tpu.memory_space<hbm>> -> memref<128x128xf32, #tpu.memory_space<hbm>>
      %dma_wait3A_900 = tpu.memref_slice %arg8[%dma_wait3A_892, %dma_wait3A_893] : memref<2x2x!tpu.dma_semaphore, #tpu.memory_space<semaphore_mem>> -> memref<1x1x!tpu.dma_semaphore, #tpu.memory_space<semaphore_mem>>
      %dma_wait3A_901 = tpu.memref_squeeze %dma_wait3A_900 : memref<1x1x!tpu.dma_semaphore, #tpu.memory_space<semaphore_mem>> -> memref<!tpu.dma_semaphore, #tpu.memory_space<semaphore_mem>>
      %dma_wait3A_902 = arith.constant 0 : i32
      %dma_wait3A_903 = tpu.memref_slice %arg4[%mul3A_889, %dma_wait3A_902] : memref<819200x128xf32, #tpu.memory_space<hbm>> -> memref<128x128xf32, #tpu.memory_space<hbm>>
      %dma_wait3A_904 = arith.constant 0 : i32
      %dma_wait3A_905 = arith.constant 0 : i32
      %dma_wait3A_906 = tpu.memref_slice %arg6[%dma_wait3A_890, %dma_wait3A_891, %dma_wait3A_904, %dma_wait3A_905] : memref<2x2x128x128xf32, #tpu.memory_space<vmem>> -> memref<1x1x128x128xf32, #tpu.memory_space<vmem>>
      %dma_wait3A_907 = tpu.memref_squeeze %dma_wait3A_906 : memref<1x1x128x128xf32, #tpu.memory_space<vmem>> -> memref<128x128xf32, #tpu.memory_space<vmem>>
      tpu.wait_dma2 semaphore(%dma_wait3A_901 : memref<!tpu.dma_semaphore, #tpu.memory_space<semaphore_mem>>) src(%dma_wait3A_907 : memref<128x128xf32, #tpu.memory_space<vmem>>) dst(%dma_wait3A_903 : memref<128x128xf32, #tpu.memory_space<hbm>>)
      %add3A_908 = arith.constant 1 : i32
      %add3A_909 = arith.addi %add3A_853, %add3A_908 : i32
      %mul3A_910 = arith.constant 2 : i32
      %mul3A_911 = arith.muli %add3A_909, %mul3A_910 : i32
      %add3A_912 = arith.constant 0 : i32
      %add3A_913 = arith.addi %mul3A_911, %add3A_912 : i32
      %dma_start3A_914 = arith.constant 0 : i32
      %dma_start3A_915 = arith.constant 0 : i32
      %dma_start3A_916 = arith.constant 0 : i32
      %dma_start3A_917 = arith.constant 0 : i32
      %dma_start3A_918 = arith.constant 0 : i32
      %dma_start3A_919 = arith.constant 0 : i32
      %dma_start3A_920 = tpu.memref_slice %arg6[%dma_start3A_914, %dma_start3A_915, %dma_start3A_918, %dma_start3A_919] : memref<2x2x128x128xf32, #tpu.memory_space<vmem>> -> memref<1x1x128x128xf32, #tpu.memory_space<vmem>>
      %dma_start3A_921 = tpu.memref_squeeze %dma_start3A_920 : memref<1x1x128x128xf32, #tpu.memory_space<vmem>> -> memref<128x128xf32, #tpu.memory_space<vmem>>
      %dma_start3A_922 = arith.constant 0 : i32
      %dma_start3A_923 = tpu.memref_slice %arg5[%add3A_913, %dma_start3A_922] : memref<200x128xi32, #tpu.memory_space<vmem>> -> memref<1x128xi32, #tpu.memory_space<vmem>>
      %dma_start3A_924 = tpu.memref_squeeze %dma_start3A_923 : memref<1x128xi32, #tpu.memory_space<vmem>> -> memref<128xi32, #tpu.memory_space<vmem>>
      %dma_start3A_925 = arith.constant 0 : i32
      %dma_start3A_926 = arith.constant 0 : i32
      %dma_start3A_927 = tpu.memref_slice %arg3[%dma_start3A_925, %dma_start3A_926] : memref<1000000x128xf32, #tpu.memory_space<hbm>> -> memref<1000000x128xf32, #tpu.memory_space<hbm>>
      %dma_start3A_928 = tpu.memref_slice %arg7[%dma_start3A_916, %dma_start3A_917] : memref<2x2x!tpu.dma_semaphore, #tpu.memory_space<semaphore_mem>> -> memref<1x1x!tpu.dma_semaphore, #tpu.memory_space<semaphore_mem>>
      %dma_start3A_929 = tpu.memref_squeeze %dma_start3A_928 : memref<1x1x!tpu.dma_semaphore, #tpu.memory_space<semaphore_mem>> -> memref<!tpu.dma_semaphore, #tpu.memory_space<semaphore_mem>>
      tpu.enqueue_indirect_dma source(%dma_start3A_927 : memref<1000000x128xf32, #tpu.memory_space<hbm>>) target(%dma_start3A_921 : memref<128x128xf32, #tpu.memory_space<vmem>>) offsets(%dma_start3A_924 : memref<128xi32, #tpu.memory_space<vmem>>) semaphore(%dma_start3A_929 : memref<!tpu.dma_semaphore, #tpu.memory_space<semaphore_mem>>)
      %add3A_930 = arith.constant 1 : i32
      %add3A_931 = arith.addi %add3A_853, %add3A_930 : i32
      %mul3A_932 = arith.constant 2 : i32
      %mul3A_933 = arith.muli %add3A_931, %mul3A_932 : i32
      %add3A_934 = arith.constant 1 : i32
      %add3A_935 = arith.addi %mul3A_933, %add3A_934 : i32
      %dma_start3A_936 = arith.constant 0 : i32
      %dma_start3A_937 = arith.constant 1 : i32
      %dma_start3A_938 = arith.constant 0 : i32
      %dma_start3A_939 = arith.constant 1 : i32
      %dma_start3A_940 = arith.constant 0 : i32
      %dma_start3A_941 = arith.constant 0 : i32
      %dma_start3A_942 = tpu.memref_slice %arg6[%dma_start3A_936, %dma_start3A_937, %dma_start3A_940, %dma_start3A_941] : memref<2x2x128x128xf32, #tpu.memory_space<vmem>> -> memref<1x1x128x128xf32, #tpu.memory_space<vmem>>
      %dma_start3A_943 = tpu.memref_squeeze %dma_start3A_942 : memref<1x1x128x128xf32, #tpu.memory_space<vmem>> -> memref<128x128xf32, #tpu.memory_space<vmem>>
      %dma_start3A_944 = arith.constant 0 : i32
      %dma_start3A_945 = tpu.memref_slice %arg5[%add3A_935, %dma_start3A_944] : memref<200x128xi32, #tpu.memory_space<vmem>> -> memref<1x128xi32, #tpu.memory_space<vmem>>
      %dma_start3A_946 = tpu.memref_squeeze %dma_start3A_945 : memref<1x128xi32, #tpu.memory_space<vmem>> -> memref<128xi32, #tpu.memory_space<vmem>>
      %dma_start3A_947 = arith.constant 0 : i32
      %dma_start3A_948 = arith.constant 0 : i32
      %dma_start3A_949 = tpu.memref_slice %arg3[%dma_start3A_947, %dma_start3A_948] : memref<1000000x128xf32, #tpu.memory_space<hbm>> -> memref<1000000x128xf32, #tpu.memory_space<hbm>>
      %dma_start3A_950 = tpu.memref_slice %arg7[%dma_start3A_938, %dma_start3A_939] : memref<2x2x!tpu.dma_semaphore, #tpu.memory_space<semaphore_mem>> -> memref<1x1x!tpu.dma_semaphore, #tpu.memory_space<semaphore_mem>>
      %dma_start3A_951 = tpu.memref_squeeze %dma_start3A_950 : memref<1x1x!tpu.dma_semaphore, #tpu.memory_space<semaphore_mem>> -> memref<!tpu.dma_semaphore, #tpu.memory_space<semaphore_mem>>
      tpu.enqueue_indirect_dma source(%dma_start3A_949 : memref<1000000x128xf32, #tpu.memory_space<hbm>>) target(%dma_start3A_943 : memref<128x128xf32, #tpu.memory_space<vmem>>) offsets(%dma_start3A_946 : memref<128xi32, #tpu.memory_space<vmem>>) semaphore(%dma_start3A_951 : memref<!tpu.dma_semaphore, #tpu.memory_space<semaphore_mem>>)
      %mul3A_952 = arith.constant 2 : i32
      %mul3A_953 = arith.muli %add3A_853, %mul3A_952 : i32
      %add3A_954 = arith.constant 0 : i32
      %add3A_955 = arith.addi %mul3A_953, %add3A_954 : i32
      %dma_wait3A_956 = arith.constant 1 : i32
      %dma_wait3A_957 = arith.constant 0 : i32
      %dma_wait3A_958 = arith.constant 1 : i32
      %dma_wait3A_959 = arith.constant 0 : i32
      %dma_wait3A_960 = arith.constant 0 : i32
      %dma_wait3A_961 = arith.constant 0 : i32
      %dma_wait3A_962 = tpu.memref_slice %arg6[%dma_wait3A_956, %dma_wait3A_957, %dma_wait3A_960, %dma_wait3A_961] : memref<2x2x128x128xf32, #tpu.memory_space<vmem>> -> memref<1x1x128x128xf32, #tpu.memory_space<vmem>>
      %dma_wait3A_963 = tpu.memref_squeeze %dma_wait3A_962 : memref<1x1x128x128xf32, #tpu.memory_space<vmem>> -> memref<128x128xf32, #tpu.memory_space<vmem>>
      %dma_wait3A_964 = arith.constant 0 : i32
      %dma_wait3A_965 = tpu.memref_slice %arg5[%add3A_955, %dma_wait3A_964] : memref<200x128xi32, #tpu.memory_space<vmem>> -> memref<1x128xi32, #tpu.memory_space<vmem>>
      %dma_wait3A_966 = tpu.memref_squeeze %dma_wait3A_965 : memref<1x128xi32, #tpu.memory_space<vmem>> -> memref<128xi32, #tpu.memory_space<vmem>>
      %dma_wait3A_967 = arith.constant 0 : i32
      %dma_wait3A_968 = arith.constant 0 : i32
      %dma_wait3A_969 = tpu.memref_slice %arg3[%dma_wait3A_967, %dma_wait3A_968] : memref<1000000x128xf32, #tpu.memory_space<hbm>> -> memref<1000000x128xf32, #tpu.memory_space<hbm>>
      %dma_wait3A_970 = tpu.memref_slice %arg7[%dma_wait3A_958, %dma_wait3A_959] : memref<2x2x!tpu.dma_semaphore, #tpu.memory_space<semaphore_mem>> -> memref<1x1x!tpu.dma_semaphore, #tpu.memory_space<semaphore_mem>>
      %dma_wait3A_971 = tpu.memref_squeeze %dma_wait3A_970 : memref<1x1x!tpu.dma_semaphore, #tpu.memory_space<semaphore_mem>> -> memref<!tpu.dma_semaphore, #tpu.memory_space<semaphore_mem>>
      tpu.wait_indirect_dma semaphore(%dma_wait3A_971 : memref<!tpu.dma_semaphore, #tpu.memory_space<semaphore_mem>>) src(%dma_wait3A_969 : memref<1000000x128xf32, #tpu.memory_space<hbm>>) dst(%dma_wait3A_963 : memref<128x128xf32, #tpu.memory_space<vmem>>)
      %mul3A_972 = arith.constant 2 : i32
      %mul3A_973 = arith.muli %add3A_853, %mul3A_972 : i32
      %add3A_974 = arith.addi %mul3A_2, %mul3A_973 : i32
      %add3A_975 = arith.constant 0 : i32
      %add3A_976 = arith.addi %add3A_974, %add3A_975 : i32
      %mul3A_977 = arith.constant 128 : i32
      %mul3A_978 = arith.muli %add3A_976, %mul3A_977 : i32
      %dma_start3A_979 = arith.constant 1 : i32
      %dma_start3A_980 = arith.constant 0 : i32
      %dma_start3A_981 = arith.constant 1 : i32
      %dma_start3A_982 = arith.constant 0 : i32
      %dma_start3A_983 = arith.constant 0 : i32
      %dma_start3A_984 = arith.constant 0 : i32
      %dma_start3A_985 = tpu.memref_slice %arg6[%dma_start3A_979, %dma_start3A_980, %dma_start3A_983, %dma_start3A_984] : memref<2x2x128x128xf32, #tpu.memory_space<vmem>> -> memref<1x1x128x128xf32, #tpu.memory_space<vmem>>
      %dma_start3A_986 = tpu.memref_squeeze %dma_start3A_985 : memref<1x1x128x128xf32, #tpu.memory_space<vmem>> -> memref<128x128xf32, #tpu.memory_space<vmem>>
      %dma_start3A_987 = arith.constant 0 : i32
      %dma_start3A_988 = tpu.memref_slice %arg4[%mul3A_978, %dma_start3A_987] : memref<819200x128xf32, #tpu.memory_space<hbm>> -> memref<128x128xf32, #tpu.memory_space<hbm>>
      %dma_start3A_989 = tpu.memref_slice %arg8[%dma_start3A_981, %dma_start3A_982] : memref<2x2x!tpu.dma_semaphore, #tpu.memory_space<semaphore_mem>> -> memref<1x1x!tpu.dma_semaphore, #tpu.memory_space<semaphore_mem>>
      %dma_start3A_990 = tpu.memref_squeeze %dma_start3A_989 : memref<1x1x!tpu.dma_semaphore, #tpu.memory_space<semaphore_mem>> -> memref<!tpu.dma_semaphore, #tpu.memory_space<semaphore_mem>>
      %dma_start3A_991 = arith.constant 0 : i32
      %dma_start3A_992 = tpu.memref_slice %arg4[%mul3A_978, %dma_start3A_991] : memref<819200x128xf32, #tpu.memory_space<hbm>> -> memref<128x128xf32, #tpu.memory_space<hbm>>
      %dma_start3A_993 = arith.constant 0 : i32
      %dma_start3A_994 = arith.constant 0 : i32
      %dma_start3A_995 = tpu.memref_slice %arg6[%dma_start3A_979, %dma_start3A_980, %dma_start3A_993, %dma_start3A_994] : memref<2x2x128x128xf32, #tpu.memory_space<vmem>> -> memref<1x1x128x128xf32, #tpu.memory_space<vmem>>
      %dma_start3A_996 = tpu.memref_squeeze %dma_start3A_995 : memref<1x1x128x128xf32, #tpu.memory_space<vmem>> -> memref<128x128xf32, #tpu.memory_space<vmem>>
      tpu.enqueue_dma source(%dma_start3A_996 : memref<128x128xf32, #tpu.memory_space<vmem>>) target(%dma_start3A_992 : memref<128x128xf32, #tpu.memory_space<hbm>>) target_semaphore(%dma_start3A_990 : memref<!tpu.dma_semaphore, #tpu.memory_space<semaphore_mem>>)
      %mul3A_997 = arith.constant 2 : i32
      %mul3A_998 = arith.muli %add3A_853, %mul3A_997 : i32
      %add3A_999 = arith.constant 1 : i32
      %add3A_1000 = arith.addi %mul3A_998, %add3A_999 : i32
      %dma_wait3A_1001 = arith.constant 1 : i32
      %dma_wait3A_1002 = arith.constant 1 : i32
      %dma_wait3A_1003 = arith.constant 1 : i32
      %dma_wait3A_1004 = arith.constant 1 : i32
      %dma_wait3A_1005 = arith.constant 0 : i32
      %dma_wait3A_1006 = arith.constant 0 : i32
      %dma_wait3A_1007 = tpu.memref_slice %arg6[%dma_wait3A_1001, %dma_wait3A_1002, %dma_wait3A_1005, %dma_wait3A_1006] : memref<2x2x128x128xf32, #tpu.memory_space<vmem>> -> memref<1x1x128x128xf32, #tpu.memory_space<vmem>>
      %dma_wait3A_1008 = tpu.memref_squeeze %dma_wait3A_1007 : memref<1x1x128x128xf32, #tpu.memory_space<vmem>> -> memref<128x128xf32, #tpu.memory_space<vmem>>
      %dma_wait3A_1009 = arith.constant 0 : i32
      %dma_wait3A_1010 = tpu.memref_slice %arg5[%add3A_1000, %dma_wait3A_1009] : memref<200x128xi32, #tpu.memory_space<vmem>> -> memref<1x128xi32, #tpu.memory_space<vmem>>
      %dma_wait3A_1011 = tpu.memref_squeeze %dma_wait3A_1010 : memref<1x128xi32, #tpu.memory_space<vmem>> -> memref<128xi32, #tpu.memory_space<vmem>>
      %dma_wait3A_1012 = arith.constant 0 : i32
      %dma_wait3A_1013 = arith.constant 0 : i32
      %dma_wait3A_1014 = tpu.memref_slice %arg3[%dma_wait3A_1012, %dma_wait3A_1013] : memref<1000000x128xf32, #tpu.memory_space<hbm>> -> memref<1000000x128xf32, #tpu.memory_space<hbm>>
      %dma_wait3A_1015 = tpu.memref_slice %arg7[%dma_wait3A_1003, %dma_wait3A_1004] : memref<2x2x!tpu.dma_semaphore, #tpu.memory_space<semaphore_mem>> -> memref<1x1x!tpu.dma_semaphore, #tpu.memory_space<semaphore_mem>>
      %dma_wait3A_1016 = tpu.memref_squeeze %dma_wait3A_1015 : memref<1x1x!tpu.dma_semaphore, #tpu.memory_space<semaphore_mem>> -> memref<!tpu.dma_semaphore, #tpu.memory_space<semaphore_mem>>
      tpu.wait_indirect_dma semaphore(%dma_wait3A_1016 : memref<!tpu.dma_semaphore, #tpu.memory_space<semaphore_mem>>) src(%dma_wait3A_1014 : memref<1000000x128xf32, #tpu.memory_space<hbm>>) dst(%dma_wait3A_1008 : memref<128x128xf32, #tpu.memory_space<vmem>>)
      %mul3A_1017 = arith.constant 2 : i32
      %mul3A_1018 = arith.muli %add3A_853, %mul3A_1017 : i32
      %add3A_1019 = arith.addi %mul3A_2, %mul3A_1018 : i32
      %add3A_1020 = arith.constant 1 : i32
      %add3A_1021 = arith.addi %add3A_1019, %add3A_1020 : i32
      %mul3A_1022 = arith.constant 128 : i32
      %mul3A_1023 = arith.muli %add3A_1021, %mul3A_1022 : i32
      %dma_start3A_1024 = arith.constant 1 : i32
      %dma_start3A_1025 = arith.constant 1 : i32
      %dma_start3A_1026 = arith.constant 1 : i32
      %dma_start3A_1027 = arith.constant 1 : i32
      %dma_start3A_1028 = arith.constant 0 : i32
      %dma_start3A_1029 = arith.constant 0 : i32
      %dma_start3A_1030 = tpu.memref_slice %arg6[%dma_start3A_1024, %dma_start3A_1025, %dma_start3A_1028, %dma_start3A_1029] : memref<2x2x128x128xf32, #tpu.memory_space<vmem>> -> memref<1x1x128x128xf32, #tpu.memory_space<vmem>>
      %dma_start3A_1031 = tpu.memref_squeeze %dma_start3A_1030 : memref<1x1x128x128xf32, #tpu.memory_space<vmem>> -> memref<128x128xf32, #tpu.memory_space<vmem>>
      %dma_start3A_1032 = arith.constant 0 : i32
      %dma_start3A_1033 = tpu.memref_slice %arg4[%mul3A_1023, %dma_start3A_1032] : memref<819200x128xf32, #tpu.memory_space<hbm>> -> memref<128x128xf32, #tpu.memory_space<hbm>>
      %dma_start3A_1034 = tpu.memref_slice %arg8[%dma_start3A_1026, %dma_start3A_1027] : memref<2x2x!tpu.dma_semaphore, #tpu.memory_space<semaphore_mem>> -> memref<1x1x!tpu.dma_semaphore, #tpu.memory_space<semaphore_mem>>
      %dma_start3A_1035 = tpu.memref_squeeze %dma_start3A_1034 : memref<1x1x!tpu.dma_semaphore, #tpu.memory_space<semaphore_mem>> -> memref<!tpu.dma_semaphore, #tpu.memory_space<semaphore_mem>>
      %dma_start3A_1036 = arith.constant 0 : i32
      %dma_start3A_1037 = tpu.memref_slice %arg4[%mul3A_1023, %dma_start3A_1036] : memref<819200x128xf32, #tpu.memory_space<hbm>> -> memref<128x128xf32, #tpu.memory_space<hbm>>
      %dma_start3A_1038 = arith.constant 0 : i32
      %dma_start3A_1039 = arith.constant 0 : i32
      %dma_start3A_1040 = tpu.memref_slice %arg6[%dma_start3A_1024, %dma_start3A_1025, %dma_start3A_1038, %dma_start3A_1039] : memref<2x2x128x128xf32, #tpu.memory_space<vmem>> -> memref<1x1x128x128xf32, #tpu.memory_space<vmem>>
      %dma_start3A_1041 = tpu.memref_squeeze %dma_start3A_1040 : memref<1x1x128x128xf32, #tpu.memory_space<vmem>> -> memref<128x128xf32, #tpu.memory_space<vmem>>
      tpu.enqueue_dma source(%dma_start3A_1041 : memref<128x128xf32, #tpu.memory_space<vmem>>) target(%dma_start3A_1037 : memref<128x128xf32, #tpu.memory_space<hbm>>) target_semaphore(%dma_start3A_1035 : memref<!tpu.dma_semaphore, #tpu.memory_space<semaphore_mem>>)
    }
    %scan3A_319 = arith.constant 48 : i32
    %add3A_320 = arith.constant 194 : i32
    %add3A_321 = arith.addi %mul3A_2, %add3A_320 : i32
    %add3A_322 = arith.constant 0 : i32
    %add3A_323 = arith.addi %add3A_321, %add3A_322 : i32
    %mul3A_324 = arith.constant 128 : i32
    %mul3A_325 = arith.muli %add3A_323, %mul3A_324 : i32
    %dma_wait3A_326 = arith.constant 1 : i32
    %dma_wait3A_327 = arith.constant 0 : i32
    %dma_wait3A_328 = arith.constant 1 : i32
    %dma_wait3A_329 = arith.constant 0 : i32
    %dma_wait3A_330 = arith.constant 0 : i32
    %dma_wait3A_331 = arith.constant 0 : i32
    %dma_wait3A_332 = tpu.memref_slice %arg6[%dma_wait3A_326, %dma_wait3A_327, %dma_wait3A_330, %dma_wait3A_331] : memref<2x2x128x128xf32, #tpu.memory_space<vmem>> -> memref<1x1x128x128xf32, #tpu.memory_space<vmem>>
    %dma_wait3A_333 = tpu.memref_squeeze %dma_wait3A_332 : memref<1x1x128x128xf32, #tpu.memory_space<vmem>> -> memref<128x128xf32, #tpu.memory_space<vmem>>
    %dma_wait3A_334 = arith.constant 0 : i32
    %dma_wait3A_335 = tpu.memref_slice %arg4[%mul3A_325, %dma_wait3A_334] : memref<819200x128xf32, #tpu.memory_space<hbm>> -> memref<128x128xf32, #tpu.memory_space<hbm>>
    %dma_wait3A_336 = tpu.memref_slice %arg8[%dma_wait3A_328, %dma_wait3A_329] : memref<2x2x!tpu.dma_semaphore, #tpu.memory_space<semaphore_mem>> -> memref<1x1x!tpu.dma_semaphore, #tpu.memory_space<semaphore_mem>>
    %dma_wait3A_337 = tpu.memref_squeeze %dma_wait3A_336 : memref<1x1x!tpu.dma_semaphore, #tpu.memory_space<semaphore_mem>> -> memref<!tpu.dma_semaphore, #tpu.memory_space<semaphore_mem>>
    %dma_wait3A_338 = arith.constant 0 : i32
    %dma_wait3A_339 = tpu.memref_slice %arg4[%mul3A_325, %dma_wait3A_338] : memref<819200x128xf32, #tpu.memory_space<hbm>> -> memref<128x128xf32, #tpu.memory_space<hbm>>
    %dma_wait3A_340 = arith.constant 0 : i32
    %dma_wait3A_341 = arith.constant 0 : i32
    %dma_wait3A_342 = tpu.memref_slice %arg6[%dma_wait3A_326, %dma_wait3A_327, %dma_wait3A_340, %dma_wait3A_341] : memref<2x2x128x128xf32, #tpu.memory_space<vmem>> -> memref<1x1x128x128xf32, #tpu.memory_space<vmem>>
    %dma_wait3A_343 = tpu.memref_squeeze %dma_wait3A_342 : memref<1x1x128x128xf32, #tpu.memory_space<vmem>> -> memref<128x128xf32, #tpu.memory_space<vmem>>
    tpu.wait_dma2 semaphore(%dma_wait3A_337 : memref<!tpu.dma_semaphore, #tpu.memory_space<semaphore_mem>>) src(%dma_wait3A_343 : memref<128x128xf32, #tpu.memory_space<vmem>>) dst(%dma_wait3A_339 : memref<128x128xf32, #tpu.memory_space<hbm>>)
    %add3A_344 = arith.constant 194 : i32
    %add3A_345 = arith.addi %mul3A_2, %add3A_344 : i32
    %add3A_346 = arith.constant 1 : i32
    %add3A_347 = arith.addi %add3A_345, %add3A_346 : i32
    %mul3A_348 = arith.constant 128 : i32
    %mul3A_349 = arith.muli %add3A_347, %mul3A_348 : i32
    %dma_wait3A_350 = arith.constant 1 : i32
    %dma_wait3A_351 = arith.constant 1 : i32
    %dma_wait3A_352 = arith.constant 1 : i32
    %dma_wait3A_353 = arith.constant 1 : i32
    %dma_wait3A_354 = arith.constant 0 : i32
    %dma_wait3A_355 = arith.constant 0 : i32
    %dma_wait3A_356 = tpu.memref_slice %arg6[%dma_wait3A_350, %dma_wait3A_351, %dma_wait3A_354, %dma_wait3A_355] : memref<2x2x128x128xf32, #tpu.memory_space<vmem>> -> memref<1x1x128x128xf32, #tpu.memory_space<vmem>>
    %dma_wait3A_357 = tpu.memref_squeeze %dma_wait3A_356 : memref<1x1x128x128xf32, #tpu.memory_space<vmem>> -> memref<128x128xf32, #tpu.memory_space<vmem>>
    %dma_wait3A_358 = arith.constant 0 : i32
    %dma_wait3A_359 = tpu.memref_slice %arg4[%mul3A_349, %dma_wait3A_358] : memref<819200x128xf32, #tpu.memory_space<hbm>> -> memref<128x128xf32, #tpu.memory_space<hbm>>
    %dma_wait3A_360 = tpu.memref_slice %arg8[%dma_wait3A_352, %dma_wait3A_353] : memref<2x2x!tpu.dma_semaphore, #tpu.memory_space<semaphore_mem>> -> memref<1x1x!tpu.dma_semaphore, #tpu.memory_space<semaphore_mem>>
    %dma_wait3A_361 = tpu.memref_squeeze %dma_wait3A_360 : memref<1x1x!tpu.dma_semaphore, #tpu.memory_space<semaphore_mem>> -> memref<!tpu.dma_semaphore, #tpu.memory_space<semaphore_mem>>
    %dma_wait3A_362 = arith.constant 0 : i32
    %dma_wait3A_363 = tpu.memref_slice %arg4[%mul3A_349, %dma_wait3A_362] : memref<819200x128xf32, #tpu.memory_space<hbm>> -> memref<128x128xf32, #tpu.memory_space<hbm>>
    %dma_wait3A_364 = arith.constant 0 : i32
    %dma_wait3A_365 = arith.constant 0 : i32
    %dma_wait3A_366 = tpu.memref_slice %arg6[%dma_wait3A_350, %dma_wait3A_351, %dma_wait3A_364, %dma_wait3A_365] : memref<2x2x128x128xf32, #tpu.memory_space<vmem>> -> memref<1x1x128x128xf32, #tpu.memory_space<vmem>>
    %dma_wait3A_367 = tpu.memref_squeeze %dma_wait3A_366 : memref<1x1x128x128xf32, #tpu.memory_space<vmem>> -> memref<128x128xf32, #tpu.memory_space<vmem>>
    tpu.wait_dma2 semaphore(%dma_wait3A_361 : memref<!tpu.dma_semaphore, #tpu.memory_space<semaphore_mem>>) src(%dma_wait3A_367 : memref<128x128xf32, #tpu.memory_space<vmem>>) dst(%dma_wait3A_363 : memref<128x128xf32, #tpu.memory_space<hbm>>)
    %dma_start3A_368 = arith.constant 198 : i32
    %dma_start3A_369 = arith.constant 1 : i32
    %dma_start3A_370 = arith.constant 0 : i32
    %dma_start3A_371 = arith.constant 1 : i32
    %dma_start3A_372 = arith.constant 0 : i32
    %dma_start3A_373 = arith.constant 0 : i32
    %dma_start3A_374 = arith.constant 0 : i32
    %dma_start3A_375 = tpu.memref_slice %arg6[%dma_start3A_369, %dma_start3A_370, %dma_start3A_373, %dma_start3A_374] : memref<2x2x128x128xf32, #tpu.memory_space<vmem>> -> memref<1x1x128x128xf32, #tpu.memory_space<vmem>>
    %dma_start3A_376 = tpu.memref_squeeze %dma_start3A_375 : memref<1x1x128x128xf32, #tpu.memory_space<vmem>> -> memref<128x128xf32, #tpu.memory_space<vmem>>
    %dma_start3A_377 = arith.constant 0 : i32
    %dma_start3A_378 = tpu.memref_slice %arg5[%dma_start3A_368, %dma_start3A_377] : memref<200x128xi32, #tpu.memory_space<vmem>> -> memref<1x128xi32, #tpu.memory_space<vmem>>
    %dma_start3A_379 = tpu.memref_squeeze %dma_start3A_378 : memref<1x128xi32, #tpu.memory_space<vmem>> -> memref<128xi32, #tpu.memory_space<vmem>>
    %dma_start3A_380 = arith.constant 0 : i32
    %dma_start3A_381 = arith.constant 0 : i32
    %dma_start3A_382 = tpu.memref_slice %arg3[%dma_start3A_380, %dma_start3A_381] : memref<1000000x128xf32, #tpu.memory_space<hbm>> -> memref<1000000x128xf32, #tpu.memory_space<hbm>>
    %dma_start3A_383 = tpu.memref_slice %arg7[%dma_start3A_371, %dma_start3A_372] : memref<2x2x!tpu.dma_semaphore, #tpu.memory_space<semaphore_mem>> -> memref<1x1x!tpu.dma_semaphore, #tpu.memory_space<semaphore_mem>>
    %dma_start3A_384 = tpu.memref_squeeze %dma_start3A_383 : memref<1x1x!tpu.dma_semaphore, #tpu.memory_space<semaphore_mem>> -> memref<!tpu.dma_semaphore, #tpu.memory_space<semaphore_mem>>
    tpu.enqueue_indirect_dma source(%dma_start3A_382 : memref<1000000x128xf32, #tpu.memory_space<hbm>>) target(%dma_start3A_376 : memref<128x128xf32, #tpu.memory_space<vmem>>) offsets(%dma_start3A_379 : memref<128xi32, #tpu.memory_space<vmem>>) semaphore(%dma_start3A_384 : memref<!tpu.dma_semaphore, #tpu.memory_space<semaphore_mem>>)
    %dma_start3A_385 = arith.constant 199 : i32
    %dma_start3A_386 = arith.constant 1 : i32
    %dma_start3A_387 = arith.constant 1 : i32
    %dma_start3A_388 = arith.constant 1 : i32
    %dma_start3A_389 = arith.constant 1 : i32
    %dma_start3A_390 = arith.constant 0 : i32
    %dma_start3A_391 = arith.constant 0 : i32
    %dma_start3A_392 = tpu.memref_slice %arg6[%dma_start3A_386, %dma_start3A_387, %dma_start3A_390, %dma_start3A_391] : memref<2x2x128x128xf32, #tpu.memory_space<vmem>> -> memref<1x1x128x128xf32, #tpu.memory_space<vmem>>
    %dma_start3A_393 = tpu.memref_squeeze %dma_start3A_392 : memref<1x1x128x128xf32, #tpu.memory_space<vmem>> -> memref<128x128xf32, #tpu.memory_space<vmem>>
    %dma_start3A_394 = arith.constant 0 : i32
    %dma_start3A_395 = tpu.memref_slice %arg5[%dma_start3A_385, %dma_start3A_394] : memref<200x128xi32, #tpu.memory_space<vmem>> -> memref<1x128xi32, #tpu.memory_space<vmem>>
    %dma_start3A_396 = tpu.memref_squeeze %dma_start3A_395 : memref<1x128xi32, #tpu.memory_space<vmem>> -> memref<128xi32, #tpu.memory_space<vmem>>
    %dma_start3A_397 = arith.constant 0 : i32
    %dma_start3A_398 = arith.constant 0 : i32
    %dma_start3A_399 = tpu.memref_slice %arg3[%dma_start3A_397, %dma_start3A_398] : memref<1000000x128xf32, #tpu.memory_space<hbm>> -> memref<1000000x128xf32, #tpu.memory_space<hbm>>
    %dma_start3A_400 = tpu.memref_slice %arg7[%dma_start3A_388, %dma_start3A_389] : memref<2x2x!tpu.dma_semaphore, #tpu.memory_space<semaphore_mem>> -> memref<1x1x!tpu.dma_semaphore, #tpu.memory_space<semaphore_mem>>
    %dma_start3A_401 = tpu.memref_squeeze %dma_start3A_400 : memref<1x1x!tpu.dma_semaphore, #tpu.memory_space<semaphore_mem>> -> memref<!tpu.dma_semaphore, #tpu.memory_space<semaphore_mem>>
    tpu.enqueue_indirect_dma source(%dma_start3A_399 : memref<1000000x128xf32, #tpu.memory_space<hbm>>) target(%dma_start3A_393 : memref<128x128xf32, #tpu.memory_space<vmem>>) offsets(%dma_start3A_396 : memref<128xi32, #tpu.memory_space<vmem>>) semaphore(%dma_start3A_401 : memref<!tpu.dma_semaphore, #tpu.memory_space<semaphore_mem>>)
    %dma_wait3A_402 = arith.constant 196 : i32
    %dma_wait3A_403 = arith.constant 0 : i32
    %dma_wait3A_404 = arith.constant 0 : i32
    %dma_wait3A_405 = arith.constant 0 : i32
    %dma_wait3A_406 = arith.constant 0 : i32
    %dma_wait3A_407 = arith.constant 0 : i32
    %dma_wait3A_408 = arith.constant 0 : i32
    %dma_wait3A_409 = tpu.memref_slice %arg6[%dma_wait3A_403, %dma_wait3A_404, %dma_wait3A_407, %dma_wait3A_408] : memref<2x2x128x128xf32, #tpu.memory_space<vmem>> -> memref<1x1x128x128xf32, #tpu.memory_space<vmem>>
    %dma_wait3A_410 = tpu.memref_squeeze %dma_wait3A_409 : memref<1x1x128x128xf32, #tpu.memory_space<vmem>> -> memref<128x128xf32, #tpu.memory_space<vmem>>
    %dma_wait3A_411 = arith.constant 0 : i32
    %dma_wait3A_412 = tpu.memref_slice %arg5[%dma_wait3A_402, %dma_wait3A_411] : memref<200x128xi32, #tpu.memory_space<vmem>> -> memref<1x128xi32, #tpu.memory_space<vmem>>
    %dma_wait3A_413 = tpu.memref_squeeze %dma_wait3A_412 : memref<1x128xi32, #tpu.memory_space<vmem>> -> memref<128xi32, #tpu.memory_space<vmem>>
    %dma_wait3A_414 = arith.constant 0 : i32
    %dma_wait3A_415 = arith.constant 0 : i32
    %dma_wait3A_416 = tpu.memref_slice %arg3[%dma_wait3A_414, %dma_wait3A_415] : memref<1000000x128xf32, #tpu.memory_space<hbm>> -> memref<1000000x128xf32, #tpu.memory_space<hbm>>
    %dma_wait3A_417 = tpu.memref_slice %arg7[%dma_wait3A_405, %dma_wait3A_406] : memref<2x2x!tpu.dma_semaphore, #tpu.memory_space<semaphore_mem>> -> memref<1x1x!tpu.dma_semaphore, #tpu.memory_space<semaphore_mem>>
    %dma_wait3A_418 = tpu.memref_squeeze %dma_wait3A_417 : memref<1x1x!tpu.dma_semaphore, #tpu.memory_space<semaphore_mem>> -> memref<!tpu.dma_semaphore, #tpu.memory_space<semaphore_mem>>
    tpu.wait_indirect_dma semaphore(%dma_wait3A_418 : memref<!tpu.dma_semaphore, #tpu.memory_space<semaphore_mem>>) src(%dma_wait3A_416 : memref<1000000x128xf32, #tpu.memory_space<hbm>>) dst(%dma_wait3A_410 : memref<128x128xf32, #tpu.memory_space<vmem>>)
    %add3A_419 = arith.constant 196 : i32
    %add3A_420 = arith.addi %mul3A_2, %add3A_419 : i32
    %add3A_421 = arith.constant 0 : i32
    %add3A_422 = arith.addi %add3A_420, %add3A_421 : i32
    %mul3A_423 = arith.constant 128 : i32
    %mul3A_424 = arith.muli %add3A_422, %mul3A_423 : i32
    %dma_start3A_425 = arith.constant 0 : i32
    %dma_start3A_426 = arith.constant 0 : i32
    %dma_start3A_427 = arith.constant 0 : i32
    %dma_start3A_428 = arith.constant 0 : i32
    %dma_start3A_429 = arith.constant 0 : i32
    %dma_start3A_430 = arith.constant 0 : i32
    %dma_start3A_431 = tpu.memref_slice %arg6[%dma_start3A_425, %dma_start3A_426, %dma_start3A_429, %dma_start3A_430] : memref<2x2x128x128xf32, #tpu.memory_space<vmem>> -> memref<1x1x128x128xf32, #tpu.memory_space<vmem>>
    %dma_start3A_432 = tpu.memref_squeeze %dma_start3A_431 : memref<1x1x128x128xf32, #tpu.memory_space<vmem>> -> memref<128x128xf32, #tpu.memory_space<vmem>>
    %dma_start3A_433 = arith.constant 0 : i32
    %dma_start3A_434 = tpu.memref_slice %arg4[%mul3A_424, %dma_start3A_433] : memref<819200x128xf32, #tpu.memory_space<hbm>> -> memref<128x128xf32, #tpu.memory_space<hbm>>
    %dma_start3A_435 = tpu.memref_slice %arg8[%dma_start3A_427, %dma_start3A_428] : memref<2x2x!tpu.dma_semaphore, #tpu.memory_space<semaphore_mem>> -> memref<1x1x!tpu.dma_semaphore, #tpu.memory_space<semaphore_mem>>
    %dma_start3A_436 = tpu.memref_squeeze %dma_start3A_435 : memref<1x1x!tpu.dma_semaphore, #tpu.memory_space<semaphore_mem>> -> memref<!tpu.dma_semaphore, #tpu.memory_space<semaphore_mem>>
    %dma_start3A_437 = arith.constant 0 : i32
    %dma_start3A_438 = tpu.memref_slice %arg4[%mul3A_424, %dma_start3A_437] : memref<819200x128xf32, #tpu.memory_space<hbm>> -> memref<128x128xf32, #tpu.memory_space<hbm>>
    %dma_start3A_439 = arith.constant 0 : i32
    %dma_start3A_440 = arith.constant 0 : i32
    %dma_start3A_441 = tpu.memref_slice %arg6[%dma_start3A_425, %dma_start3A_426, %dma_start3A_439, %dma_start3A_440] : memref<2x2x128x128xf32, #tpu.memory_space<vmem>> -> memref<1x1x128x128xf32, #tpu.memory_space<vmem>>
    %dma_start3A_442 = tpu.memref_squeeze %dma_start3A_441 : memref<1x1x128x128xf32, #tpu.memory_space<vmem>> -> memref<128x128xf32, #tpu.memory_space<vmem>>
    tpu.enqueue_dma source(%dma_start3A_442 : memref<128x128xf32, #tpu.memory_space<vmem>>) target(%dma_start3A_438 : memref<128x128xf32, #tpu.memory_space<hbm>>) target_semaphore(%dma_start3A_436 : memref<!tpu.dma_semaphore, #tpu.memory_space<semaphore_mem>>)
    %dma_wait3A_443 = arith.constant 197 : i32
    %dma_wait3A_444 = arith.constant 0 : i32
    %dma_wait3A_445 = arith.constant 1 : i32
    %dma_wait3A_446 = arith.constant 0 : i32
    %dma_wait3A_447 = arith.constant 1 : i32
    %dma_wait3A_448 = arith.constant 0 : i32
    %dma_wait3A_449 = arith.constant 0 : i32
    %dma_wait3A_450 = tpu.memref_slice %arg6[%dma_wait3A_444, %dma_wait3A_445, %dma_wait3A_448, %dma_wait3A_449] : memref<2x2x128x128xf32, #tpu.memory_space<vmem>> -> memref<1x1x128x128xf32, #tpu.memory_space<vmem>>
    %dma_wait3A_451 = tpu.memref_squeeze %dma_wait3A_450 : memref<1x1x128x128xf32, #tpu.memory_space<vmem>> -> memref<128x128xf32, #tpu.memory_space<vmem>>
    %dma_wait3A_452 = arith.constant 0 : i32
    %dma_wait3A_453 = tpu.memref_slice %arg5[%dma_wait3A_443, %dma_wait3A_452] : memref<200x128xi32, #tpu.memory_space<vmem>> -> memref<1x128xi32, #tpu.memory_space<vmem>>
    %dma_wait3A_454 = tpu.memref_squeeze %dma_wait3A_453 : memref<1x128xi32, #tpu.memory_space<vmem>> -> memref<128xi32, #tpu.memory_space<vmem>>
    %dma_wait3A_455 = arith.constant 0 : i32
    %dma_wait3A_456 = arith.constant 0 : i32
    %dma_wait3A_457 = tpu.memref_slice %arg3[%dma_wait3A_455, %dma_wait3A_456] : memref<1000000x128xf32, #tpu.memory_space<hbm>> -> memref<1000000x128xf32, #tpu.memory_space<hbm>>
    %dma_wait3A_458 = tpu.memref_slice %arg7[%dma_wait3A_446, %dma_wait3A_447] : memref<2x2x!tpu.dma_semaphore, #tpu.memory_space<semaphore_mem>> -> memref<1x1x!tpu.dma_semaphore, #tpu.memory_space<semaphore_mem>>
    %dma_wait3A_459 = tpu.memref_squeeze %dma_wait3A_458 : memref<1x1x!tpu.dma_semaphore, #tpu.memory_space<semaphore_mem>> -> memref<!tpu.dma_semaphore, #tpu.memory_space<semaphore_mem>>
    tpu.wait_indirect_dma semaphore(%dma_wait3A_459 : memref<!tpu.dma_semaphore, #tpu.memory_space<semaphore_mem>>) src(%dma_wait3A_457 : memref<1000000x128xf32, #tpu.memory_space<hbm>>) dst(%dma_wait3A_451 : memref<128x128xf32, #tpu.memory_space<vmem>>)
    %add3A_460 = arith.constant 196 : i32
    %add3A_461 = arith.addi %mul3A_2, %add3A_460 : i32
    %add3A_462 = arith.constant 1 : i32
    %add3A_463 = arith.addi %add3A_461, %add3A_462 : i32
    %mul3A_464 = arith.constant 128 : i32
    %mul3A_465 = arith.muli %add3A_463, %mul3A_464 : i32
    %dma_start3A_466 = arith.constant 0 : i32
    %dma_start3A_467 = arith.constant 1 : i32
    %dma_start3A_468 = arith.constant 0 : i32
    %dma_start3A_469 = arith.constant 1 : i32
    %dma_start3A_470 = arith.constant 0 : i32
    %dma_start3A_471 = arith.constant 0 : i32
    %dma_start3A_472 = tpu.memref_slice %arg6[%dma_start3A_466, %dma_start3A_467, %dma_start3A_470, %dma_start3A_471] : memref<2x2x128x128xf32, #tpu.memory_space<vmem>> -> memref<1x1x128x128xf32, #tpu.memory_space<vmem>>
    %dma_start3A_473 = tpu.memref_squeeze %dma_start3A_472 : memref<1x1x128x128xf32, #tpu.memory_space<vmem>> -> memref<128x128xf32, #tpu.memory_space<vmem>>
    %dma_start3A_474 = arith.constant 0 : i32
    %dma_start3A_475 = tpu.memref_slice %arg4[%mul3A_465, %dma_start3A_474] : memref<819200x128xf32, #tpu.memory_space<hbm>> -> memref<128x128xf32, #tpu.memory_space<hbm>>
    %dma_start3A_476 = tpu.memref_slice %arg8[%dma_start3A_468, %dma_start3A_469] : memref<2x2x!tpu.dma_semaphore, #tpu.memory_space<semaphore_mem>> -> memref<1x1x!tpu.dma_semaphore, #tpu.memory_space<semaphore_mem>>
    %dma_start3A_477 = tpu.memref_squeeze %dma_start3A_476 : memref<1x1x!tpu.dma_semaphore, #tpu.memory_space<semaphore_mem>> -> memref<!tpu.dma_semaphore, #tpu.memory_space<semaphore_mem>>
    %dma_start3A_478 = arith.constant 0 : i32
    %dma_start3A_479 = tpu.memref_slice %arg4[%mul3A_465, %dma_start3A_478] : memref<819200x128xf32, #tpu.memory_space<hbm>> -> memref<128x128xf32, #tpu.memory_space<hbm>>
    %dma_start3A_480 = arith.constant 0 : i32
    %dma_start3A_481 = arith.constant 0 : i32
    %dma_start3A_482 = tpu.memref_slice %arg6[%dma_start3A_466, %dma_start3A_467, %dma_start3A_480, %dma_start3A_481] : memref<2x2x128x128xf32, #tpu.memory_space<vmem>> -> memref<1x1x128x128xf32, #tpu.memory_space<vmem>>
    %dma_start3A_483 = tpu.memref_squeeze %dma_start3A_482 : memref<1x1x128x128xf32, #tpu.memory_space<vmem>> -> memref<128x128xf32, #tpu.memory_space<vmem>>
    tpu.enqueue_dma source(%dma_start3A_483 : memref<128x128xf32, #tpu.memory_space<vmem>>) target(%dma_start3A_479 : memref<128x128xf32, #tpu.memory_space<hbm>>) target_semaphore(%dma_start3A_477 : memref<!tpu.dma_semaphore, #tpu.memory_space<semaphore_mem>>)
    %add3A_484 = arith.constant 196 : i32
    %add3A_485 = arith.addi %mul3A_2, %add3A_484 : i32
    %add3A_486 = arith.constant 0 : i32
    %add3A_487 = arith.addi %add3A_485, %add3A_486 : i32
    %mul3A_488 = arith.constant 128 : i32
    %mul3A_489 = arith.muli %add3A_487, %mul3A_488 : i32
    %dma_wait3A_490 = arith.constant 0 : i32
    %dma_wait3A_491 = arith.constant 0 : i32
    %dma_wait3A_492 = arith.constant 0 : i32
    %dma_wait3A_493 = arith.constant 0 : i32
    %dma_wait3A_494 = arith.constant 0 : i32
    %dma_wait3A_495 = arith.constant 0 : i32
    %dma_wait3A_496 = tpu.memref_slice %arg6[%dma_wait3A_490, %dma_wait3A_491, %dma_wait3A_494, %dma_wait3A_495] : memref<2x2x128x128xf32, #tpu.memory_space<vmem>> -> memref<1x1x128x128xf32, #tpu.memory_space<vmem>>
    %dma_wait3A_497 = tpu.memref_squeeze %dma_wait3A_496 : memref<1x1x128x128xf32, #tpu.memory_space<vmem>> -> memref<128x128xf32, #tpu.memory_space<vmem>>
    %dma_wait3A_498 = arith.constant 0 : i32
    %dma_wait3A_499 = tpu.memref_slice %arg4[%mul3A_489, %dma_wait3A_498] : memref<819200x128xf32, #tpu.memory_space<hbm>> -> memref<128x128xf32, #tpu.memory_space<hbm>>
    %dma_wait3A_500 = tpu.memref_slice %arg8[%dma_wait3A_492, %dma_wait3A_493] : memref<2x2x!tpu.dma_semaphore, #tpu.memory_space<semaphore_mem>> -> memref<1x1x!tpu.dma_semaphore, #tpu.memory_space<semaphore_mem>>
    %dma_wait3A_501 = tpu.memref_squeeze %dma_wait3A_500 : memref<1x1x!tpu.dma_semaphore, #tpu.memory_space<semaphore_mem>> -> memref<!tpu.dma_semaphore, #tpu.memory_space<semaphore_mem>>
    %dma_wait3A_502 = arith.constant 0 : i32
    %dma_wait3A_503 = tpu.memref_slice %arg4[%mul3A_489, %dma_wait3A_502] : memref<819200x128xf32, #tpu.memory_space<hbm>> -> memref<128x128xf32, #tpu.memory_space<hbm>>
    %dma_wait3A_504 = arith.constant 0 : i32
    %dma_wait3A_505 = arith.constant 0 : i32
    %dma_wait3A_506 = tpu.memref_slice %arg6[%dma_wait3A_490, %dma_wait3A_491, %dma_wait3A_504, %dma_wait3A_505] : memref<2x2x128x128xf32, #tpu.memory_space<vmem>> -> memref<1x1x128x128xf32, #tpu.memory_space<vmem>>
    %dma_wait3A_507 = tpu.memref_squeeze %dma_wait3A_506 : memref<1x1x128x128xf32, #tpu.memory_space<vmem>> -> memref<128x128xf32, #tpu.memory_space<vmem>>
    tpu.wait_dma2 semaphore(%dma_wait3A_501 : memref<!tpu.dma_semaphore, #tpu.memory_space<semaphore_mem>>) src(%dma_wait3A_507 : memref<128x128xf32, #tpu.memory_space<vmem>>) dst(%dma_wait3A_503 : memref<128x128xf32, #tpu.memory_space<hbm>>)
    %add3A_508 = arith.constant 196 : i32
    %add3A_509 = arith.addi %mul3A_2, %add3A_508 : i32
    %add3A_510 = arith.constant 1 : i32
    %add3A_511 = arith.addi %add3A_509, %add3A_510 : i32
    %mul3A_512 = arith.constant 128 : i32
    %mul3A_513 = arith.muli %add3A_511, %mul3A_512 : i32
    %dma_wait3A_514 = arith.constant 0 : i32
    %dma_wait3A_515 = arith.constant 1 : i32
    %dma_wait3A_516 = arith.constant 0 : i32
    %dma_wait3A_517 = arith.constant 1 : i32
    %dma_wait3A_518 = arith.constant 0 : i32
    %dma_wait3A_519 = arith.constant 0 : i32
    %dma_wait3A_520 = tpu.memref_slice %arg6[%dma_wait3A_514, %dma_wait3A_515, %dma_wait3A_518, %dma_wait3A_519] : memref<2x2x128x128xf32, #tpu.memory_space<vmem>> -> memref<1x1x128x128xf32, #tpu.memory_space<vmem>>
    %dma_wait3A_521 = tpu.memref_squeeze %dma_wait3A_520 : memref<1x1x128x128xf32, #tpu.memory_space<vmem>> -> memref<128x128xf32, #tpu.memory_space<vmem>>
    %dma_wait3A_522 = arith.constant 0 : i32
    %dma_wait3A_523 = tpu.memref_slice %arg4[%mul3A_513, %dma_wait3A_522] : memref<819200x128xf32, #tpu.memory_space<hbm>> -> memref<128x128xf32, #tpu.memory_space<hbm>>
    %dma_wait3A_524 = tpu.memref_slice %arg8[%dma_wait3A_516, %dma_wait3A_517] : memref<2x2x!tpu.dma_semaphore, #tpu.memory_space<semaphore_mem>> -> memref<1x1x!tpu.dma_semaphore, #tpu.memory_space<semaphore_mem>>
    %dma_wait3A_525 = tpu.memref_squeeze %dma_wait3A_524 : memref<1x1x!tpu.dma_semaphore, #tpu.memory_space<semaphore_mem>> -> memref<!tpu.dma_semaphore, #tpu.memory_space<semaphore_mem>>
    %dma_wait3A_526 = arith.constant 0 : i32
    %dma_wait3A_527 = tpu.memref_slice %arg4[%mul3A_513, %dma_wait3A_526] : memref<819200x128xf32, #tpu.memory_space<hbm>> -> memref<128x128xf32, #tpu.memory_space<hbm>>
    %dma_wait3A_528 = arith.constant 0 : i32
    %dma_wait3A_529 = arith.constant 0 : i32
    %dma_wait3A_530 = tpu.memref_slice %arg6[%dma_wait3A_514, %dma_wait3A_515, %dma_wait3A_528, %dma_wait3A_529] : memref<2x2x128x128xf32, #tpu.memory_space<vmem>> -> memref<1x1x128x128xf32, #tpu.memory_space<vmem>>
    %dma_wait3A_531 = tpu.memref_squeeze %dma_wait3A_530 : memref<1x1x128x128xf32, #tpu.memory_space<vmem>> -> memref<128x128xf32, #tpu.memory_space<vmem>>
    tpu.wait_dma2 semaphore(%dma_wait3A_525 : memref<!tpu.dma_semaphore, #tpu.memory_space<semaphore_mem>>) src(%dma_wait3A_531 : memref<128x128xf32, #tpu.memory_space<vmem>>) dst(%dma_wait3A_527 : memref<128x128xf32, #tpu.memory_space<hbm>>)
    %dma_wait3A_532 = arith.constant 198 : i32
    %dma_wait3A_533 = arith.constant 1 : i32
    %dma_wait3A_534 = arith.constant 0 : i32
    %dma_wait3A_535 = arith.constant 1 : i32
    %dma_wait3A_536 = arith.constant 0 : i32
    %dma_wait3A_537 = arith.constant 0 : i32
    %dma_wait3A_538 = arith.constant 0 : i32
    %dma_wait3A_539 = tpu.memref_slice %arg6[%dma_wait3A_533, %dma_wait3A_534, %dma_wait3A_537, %dma_wait3A_538] : memref<2x2x128x128xf32, #tpu.memory_space<vmem>> -> memref<1x1x128x128xf32, #tpu.memory_space<vmem>>
    %dma_wait3A_540 = tpu.memref_squeeze %dma_wait3A_539 : memref<1x1x128x128xf32, #tpu.memory_space<vmem>> -> memref<128x128xf32, #tpu.memory_space<vmem>>
    %dma_wait3A_541 = arith.constant 0 : i32
    %dma_wait3A_542 = tpu.memref_slice %arg5[%dma_wait3A_532, %dma_wait3A_541] : memref<200x128xi32, #tpu.memory_space<vmem>> -> memref<1x128xi32, #tpu.memory_space<vmem>>
    %dma_wait3A_543 = tpu.memref_squeeze %dma_wait3A_542 : memref<1x128xi32, #tpu.memory_space<vmem>> -> memref<128xi32, #tpu.memory_space<vmem>>
    %dma_wait3A_544 = arith.constant 0 : i32
    %dma_wait3A_545 = arith.constant 0 : i32
    %dma_wait3A_546 = tpu.memref_slice %arg3[%dma_wait3A_544, %dma_wait3A_545] : memref<1000000x128xf32, #tpu.memory_space<hbm>> -> memref<1000000x128xf32, #tpu.memory_space<hbm>>
    %dma_wait3A_547 = tpu.memref_slice %arg7[%dma_wait3A_535, %dma_wait3A_536] : memref<2x2x!tpu.dma_semaphore, #tpu.memory_space<semaphore_mem>> -> memref<1x1x!tpu.dma_semaphore, #tpu.memory_space<semaphore_mem>>
    %dma_wait3A_548 = tpu.memref_squeeze %dma_wait3A_547 : memref<1x1x!tpu.dma_semaphore, #tpu.memory_space<semaphore_mem>> -> memref<!tpu.dma_semaphore, #tpu.memory_space<semaphore_mem>>
    tpu.wait_indirect_dma semaphore(%dma_wait3A_548 : memref<!tpu.dma_semaphore, #tpu.memory_space<semaphore_mem>>) src(%dma_wait3A_546 : memref<1000000x128xf32, #tpu.memory_space<hbm>>) dst(%dma_wait3A_540 : memref<128x128xf32, #tpu.memory_space<vmem>>)
    %add3A_549 = arith.constant 198 : i32
    %add3A_550 = arith.addi %mul3A_2, %add3A_549 : i32
    %add3A_551 = arith.constant 0 : i32
    %add3A_552 = arith.addi %add3A_550, %add3A_551 : i32
    %mul3A_553 = arith.constant 128 : i32
    %mul3A_554 = arith.muli %add3A_552, %mul3A_553 : i32
    %dma_start3A_555 = arith.constant 1 : i32
    %dma_start3A_556 = arith.constant 0 : i32
    %dma_start3A_557 = arith.constant 1 : i32
    %dma_start3A_558 = arith.constant 0 : i32
    %dma_start3A_559 = arith.constant 0 : i32
    %dma_start3A_560 = arith.constant 0 : i32
    %dma_start3A_561 = tpu.memref_slice %arg6[%dma_start3A_555, %dma_start3A_556, %dma_start3A_559, %dma_start3A_560] : memref<2x2x128x128xf32, #tpu.memory_space<vmem>> -> memref<1x1x128x128xf32, #tpu.memory_space<vmem>>
    %dma_start3A_562 = tpu.memref_squeeze %dma_start3A_561 : memref<1x1x128x128xf32, #tpu.memory_space<vmem>> -> memref<128x128xf32, #tpu.memory_space<vmem>>
    %dma_start3A_563 = arith.constant 0 : i32
    %dma_start3A_564 = tpu.memref_slice %arg4[%mul3A_554, %dma_start3A_563] : memref<819200x128xf32, #tpu.memory_space<hbm>> -> memref<128x128xf32, #tpu.memory_space<hbm>>
    %dma_start3A_565 = tpu.memref_slice %arg8[%dma_start3A_557, %dma_start3A_558] : memref<2x2x!tpu.dma_semaphore, #tpu.memory_space<semaphore_mem>> -> memref<1x1x!tpu.dma_semaphore, #tpu.memory_space<semaphore_mem>>
    %dma_start3A_566 = tpu.memref_squeeze %dma_start3A_565 : memref<1x1x!tpu.dma_semaphore, #tpu.memory_space<semaphore_mem>> -> memref<!tpu.dma_semaphore, #tpu.memory_space<semaphore_mem>>
    %dma_start3A_567 = arith.constant 0 : i32
    %dma_start3A_568 = tpu.memref_slice %arg4[%mul3A_554, %dma_start3A_567] : memref<819200x128xf32, #tpu.memory_space<hbm>> -> memref<128x128xf32, #tpu.memory_space<hbm>>
    %dma_start3A_569 = arith.constant 0 : i32
    %dma_start3A_570 = arith.constant 0 : i32
    %dma_start3A_571 = tpu.memref_slice %arg6[%dma_start3A_555, %dma_start3A_556, %dma_start3A_569, %dma_start3A_570] : memref<2x2x128x128xf32, #tpu.memory_space<vmem>> -> memref<1x1x128x128xf32, #tpu.memory_space<vmem>>
    %dma_start3A_572 = tpu.memref_squeeze %dma_start3A_571 : memref<1x1x128x128xf32, #tpu.memory_space<vmem>> -> memref<128x128xf32, #tpu.memory_space<vmem>>
    tpu.enqueue_dma source(%dma_start3A_572 : memref<128x128xf32, #tpu.memory_space<vmem>>) target(%dma_start3A_568 : memref<128x128xf32, #tpu.memory_space<hbm>>) target_semaphore(%dma_start3A_566 : memref<!tpu.dma_semaphore, #tpu.memory_space<semaphore_mem>>)
    %dma_wait3A_573 = arith.constant 199 : i32
    %dma_wait3A_574 = arith.constant 1 : i32
    %dma_wait3A_575 = arith.constant 1 : i32
    %dma_wait3A_576 = arith.constant 1 : i32
    %dma_wait3A_577 = arith.constant 1 : i32
    %dma_wait3A_578 = arith.constant 0 : i32
    %dma_wait3A_579 = arith.constant 0 : i32
    %dma_wait3A_580 = tpu.memref_slice %arg6[%dma_wait3A_574, %dma_wait3A_575, %dma_wait3A_578, %dma_wait3A_579] : memref<2x2x128x128xf32, #tpu.memory_space<vmem>> -> memref<1x1x128x128xf32, #tpu.memory_space<vmem>>
    %dma_wait3A_581 = tpu.memref_squeeze %dma_wait3A_580 : memref<1x1x128x128xf32, #tpu.memory_space<vmem>> -> memref<128x128xf32, #tpu.memory_space<vmem>>
    %dma_wait3A_582 = arith.constant 0 : i32
    %dma_wait3A_583 = tpu.memref_slice %arg5[%dma_wait3A_573, %dma_wait3A_582] : memref<200x128xi32, #tpu.memory_space<vmem>> -> memref<1x128xi32, #tpu.memory_space<vmem>>
    %dma_wait3A_584 = tpu.memref_squeeze %dma_wait3A_583 : memref<1x128xi32, #tpu.memory_space<vmem>> -> memref<128xi32, #tpu.memory_space<vmem>>
    %dma_wait3A_585 = arith.constant 0 : i32
    %dma_wait3A_586 = arith.constant 0 : i32
    %dma_wait3A_587 = tpu.memref_slice %arg3[%dma_wait3A_585, %dma_wait3A_586] : memref<1000000x128xf32, #tpu.memory_space<hbm>> -> memref<1000000x128xf32, #tpu.memory_space<hbm>>
    %dma_wait3A_588 = tpu.memref_slice %arg7[%dma_wait3A_576, %dma_wait3A_577] : memref<2x2x!tpu.dma_semaphore, #tpu.memory_space<semaphore_mem>> -> memref<1x1x!tpu.dma_semaphore, #tpu.memory_space<semaphore_mem>>
    %dma_wait3A_589 = tpu.memref_squeeze %dma_wait3A_588 : memref<1x1x!tpu.dma_semaphore, #tpu.memory_space<semaphore_mem>> -> memref<!tpu.dma_semaphore, #tpu.memory_space<semaphore_mem>>
    tpu.wait_indirect_dma semaphore(%dma_wait3A_589 : memref<!tpu.dma_semaphore, #tpu.memory_space<semaphore_mem>>) src(%dma_wait3A_587 : memref<1000000x128xf32, #tpu.memory_space<hbm>>) dst(%dma_wait3A_581 : memref<128x128xf32, #tpu.memory_space<vmem>>)
    %add3A_590 = arith.constant 198 : i32
    %add3A_591 = arith.addi %mul3A_2, %add3A_590 : i32
    %add3A_592 = arith.constant 1 : i32
    %add3A_593 = arith.addi %add3A_591, %add3A_592 : i32
    %mul3A_594 = arith.constant 128 : i32
    %mul3A_595 = arith.muli %add3A_593, %mul3A_594 : i32
    %dma_start3A_596 = arith.constant 1 : i32
    %dma_start3A_597 = arith.constant 1 : i32
    %dma_start3A_598 = arith.constant 1 : i32
    %dma_start3A_599 = arith.constant 1 : i32
    %dma_start3A_600 = arith.constant 0 : i32
    %dma_start3A_601 = arith.constant 0 : i32
    %dma_start3A_602 = tpu.memref_slice %arg6[%dma_start3A_596, %dma_start3A_597, %dma_start3A_600, %dma_start3A_601] : memref<2x2x128x128xf32, #tpu.memory_space<vmem>> -> memref<1x1x128x128xf32, #tpu.memory_space<vmem>>
    %dma_start3A_603 = tpu.memref_squeeze %dma_start3A_602 : memref<1x1x128x128xf32, #tpu.memory_space<vmem>> -> memref<128x128xf32, #tpu.memory_space<vmem>>
    %dma_start3A_604 = arith.constant 0 : i32
    %dma_start3A_605 = tpu.memref_slice %arg4[%mul3A_595, %dma_start3A_604] : memref<819200x128xf32, #tpu.memory_space<hbm>> -> memref<128x128xf32, #tpu.memory_space<hbm>>
    %dma_start3A_606 = tpu.memref_slice %arg8[%dma_start3A_598, %dma_start3A_599] : memref<2x2x!tpu.dma_semaphore, #tpu.memory_space<semaphore_mem>> -> memref<1x1x!tpu.dma_semaphore, #tpu.memory_space<semaphore_mem>>
    %dma_start3A_607 = tpu.memref_squeeze %dma_start3A_606 : memref<1x1x!tpu.dma_semaphore, #tpu.memory_space<semaphore_mem>> -> memref<!tpu.dma_semaphore, #tpu.memory_space<semaphore_mem>>
    %dma_start3A_608 = arith.constant 0 : i32
    %dma_start3A_609 = tpu.memref_slice %arg4[%mul3A_595, %dma_start3A_608] : memref<819200x128xf32, #tpu.memory_space<hbm>> -> memref<128x128xf32, #tpu.memory_space<hbm>>
    %dma_start3A_610 = arith.constant 0 : i32
    %dma_start3A_611 = arith.constant 0 : i32
    %dma_start3A_612 = tpu.memref_slice %arg6[%dma_start3A_596, %dma_start3A_597, %dma_start3A_610, %dma_start3A_611] : memref<2x2x128x128xf32, #tpu.memory_space<vmem>> -> memref<1x1x128x128xf32, #tpu.memory_space<vmem>>
    %dma_start3A_613 = tpu.memref_squeeze %dma_start3A_612 : memref<1x1x128x128xf32, #tpu.memory_space<vmem>> -> memref<128x128xf32, #tpu.memory_space<vmem>>
    tpu.enqueue_dma source(%dma_start3A_613 : memref<128x128xf32, #tpu.memory_space<vmem>>) target(%dma_start3A_609 : memref<128x128xf32, #tpu.memory_space<hbm>>) target_semaphore(%dma_start3A_607 : memref<!tpu.dma_semaphore, #tpu.memory_space<semaphore_mem>>)
    %add3A_614 = arith.constant 198 : i32
    %add3A_615 = arith.addi %mul3A_2, %add3A_614 : i32
    %add3A_616 = arith.constant 0 : i32
    %add3A_617 = arith.addi %add3A_615, %add3A_616 : i32
    %mul3A_618 = arith.constant 128 : i32
    %mul3A_619 = arith.muli %add3A_617, %mul3A_618 : i32
    %dma_wait3A_620 = arith.constant 1 : i32
    %dma_wait3A_621 = arith.constant 0 : i32
    %dma_wait3A_622 = arith.constant 1 : i32
    %dma_wait3A_623 = arith.constant 0 : i32
    %dma_wait3A_624 = arith.constant 0 : i32
    %dma_wait3A_625 = arith.constant 0 : i32
    %dma_wait3A_626 = tpu.memref_slice %arg6[%dma_wait3A_620, %dma_wait3A_621, %dma_wait3A_624, %dma_wait3A_625] : memref<2x2x128x128xf32, #tpu.memory_space<vmem>> -> memref<1x1x128x128xf32, #tpu.memory_space<vmem>>
    %dma_wait3A_627 = tpu.memref_squeeze %dma_wait3A_626 : memref<1x1x128x128xf32, #tpu.memory_space<vmem>> -> memref<128x128xf32, #tpu.memory_space<vmem>>
    %dma_wait3A_628 = arith.constant 0 : i32
    %dma_wait3A_629 = tpu.memref_slice %arg4[%mul3A_619, %dma_wait3A_628] : memref<819200x128xf32, #tpu.memory_space<hbm>> -> memref<128x128xf32, #tpu.memory_space<hbm>>
    %dma_wait3A_630 = tpu.memref_slice %arg8[%dma_wait3A_622, %dma_wait3A_623] : memref<2x2x!tpu.dma_semaphore, #tpu.memory_space<semaphore_mem>> -> memref<1x1x!tpu.dma_semaphore, #tpu.memory_space<semaphore_mem>>
    %dma_wait3A_631 = tpu.memref_squeeze %dma_wait3A_630 : memref<1x1x!tpu.dma_semaphore, #tpu.memory_space<semaphore_mem>> -> memref<!tpu.dma_semaphore, #tpu.memory_space<semaphore_mem>>
    %dma_wait3A_632 = arith.constant 0 : i32
    %dma_wait3A_633 = tpu.memref_slice %arg4[%mul3A_619, %dma_wait3A_632] : memref<819200x128xf32, #tpu.memory_space<hbm>> -> memref<128x128xf32, #tpu.memory_space<hbm>>
    %dma_wait3A_634 = arith.constant 0 : i32
    %dma_wait3A_635 = arith.constant 0 : i32
    %dma_wait3A_636 = tpu.memref_slice %arg6[%dma_wait3A_620, %dma_wait3A_621, %dma_wait3A_634, %dma_wait3A_635] : memref<2x2x128x128xf32, #tpu.memory_space<vmem>> -> memref<1x1x128x128xf32, #tpu.memory_space<vmem>>
    %dma_wait3A_637 = tpu.memref_squeeze %dma_wait3A_636 : memref<1x1x128x128xf32, #tpu.memory_space<vmem>> -> memref<128x128xf32, #tpu.memory_space<vmem>>
    tpu.wait_dma2 semaphore(%dma_wait3A_631 : memref<!tpu.dma_semaphore, #tpu.memory_space<semaphore_mem>>) src(%dma_wait3A_637 : memref<128x128xf32, #tpu.memory_space<vmem>>) dst(%dma_wait3A_633 : memref<128x128xf32, #tpu.memory_space<hbm>>)
    %add3A_638 = arith.constant 198 : i32
    %add3A_639 = arith.addi %mul3A_2, %add3A_638 : i32
    %add3A_640 = arith.constant 1 : i32
    %add3A_641 = arith.addi %add3A_639, %add3A_640 : i32
    %mul3A_642 = arith.constant 128 : i32
    %mul3A_643 = arith.muli %add3A_641, %mul3A_642 : i32
    %dma_wait3A_644 = arith.constant 1 : i32
    %dma_wait3A_645 = arith.constant 1 : i32
    %dma_wait3A_646 = arith.constant 1 : i32
    %dma_wait3A_647 = arith.constant 1 : i32
    %dma_wait3A_648 = arith.constant 0 : i32
    %dma_wait3A_649 = arith.constant 0 : i32
    %dma_wait3A_650 = tpu.memref_slice %arg6[%dma_wait3A_644, %dma_wait3A_645, %dma_wait3A_648, %dma_wait3A_649] : memref<2x2x128x128xf32, #tpu.memory_space<vmem>> -> memref<1x1x128x128xf32, #tpu.memory_space<vmem>>
    %dma_wait3A_651 = tpu.memref_squeeze %dma_wait3A_650 : memref<1x1x128x128xf32, #tpu.memory_space<vmem>> -> memref<128x128xf32, #tpu.memory_space<vmem>>
    %dma_wait3A_652 = arith.constant 0 : i32
    %dma_wait3A_653 = tpu.memref_slice %arg4[%mul3A_643, %dma_wait3A_652] : memref<819200x128xf32, #tpu.memory_space<hbm>> -> memref<128x128xf32, #tpu.memory_space<hbm>>
    %dma_wait3A_654 = tpu.memref_slice %arg8[%dma_wait3A_646, %dma_wait3A_647] : memref<2x2x!tpu.dma_semaphore, #tpu.memory_space<semaphore_mem>> -> memref<1x1x!tpu.dma_semaphore, #tpu.memory_space<semaphore_mem>>
    %dma_wait3A_655 = tpu.memref_squeeze %dma_wait3A_654 : memref<1x1x!tpu.dma_semaphore, #tpu.memory_space<semaphore_mem>> -> memref<!tpu.dma_semaphore, #tpu.memory_space<semaphore_mem>>
    %dma_wait3A_656 = arith.constant 0 : i32
    %dma_wait3A_657 = tpu.memref_slice %arg4[%mul3A_643, %dma_wait3A_656] : memref<819200x128xf32, #tpu.memory_space<hbm>> -> memref<128x128xf32, #tpu.memory_space<hbm>>
    %dma_wait3A_658 = arith.constant 0 : i32
    %dma_wait3A_659 = arith.constant 0 : i32
    %dma_wait3A_660 = tpu.memref_slice %arg6[%dma_wait3A_644, %dma_wait3A_645, %dma_wait3A_658, %dma_wait3A_659] : memref<2x2x128x128xf32, #tpu.memory_space<vmem>> -> memref<1x1x128x128xf32, #tpu.memory_space<vmem>>
    %dma_wait3A_661 = tpu.memref_squeeze %dma_wait3A_660 : memref<1x1x128x128xf32, #tpu.memory_space<vmem>> -> memref<128x128xf32, #tpu.memory_space<vmem>>
    tpu.wait_dma2 semaphore(%dma_wait3A_655 : memref<!tpu.dma_semaphore, #tpu.memory_space<semaphore_mem>>) src(%dma_wait3A_661 : memref<128x128xf32, #tpu.memory_space<vmem>>) dst(%dma_wait3A_657 : memref<128x128xf32, #tpu.memory_space<hbm>>)
    return
  }
}

</mosaic_0001>

<sc_bundles>
// kernel: kernel.3.cloned.1.call-start
scs
__scs_entry_jumppad:
0x0: {  	(pc) =	sbr.rel $0x88, $3  }
0x1: {  	(tag) =	ssettag $0x0;
	lr =	simm.s32 $0x1  }
0x2: {  	[smem:$0x3F9F] =	sst lr;
	_ =	strace $0xD0000000  }
0x3: {  	_ = 	snop  }
0x4: {  	_ = 	snop  }
0x5: {  	_ = 	snop  }
0x6: {  	_ = 	snop  }
0x7: {  	_ = 	snop  }
__scs_overlays_trampoline_lowered:
0x8: {  	[smem:$0x3FAE] =	sst s0  }
0x9: {  	[smem:$0x3FAF] =	sst s1  }
0xa: {  	[smem:$0x3FB0] =	sst s2  }
0xb: {  	[smem:$0x3FB1] =	sst s3  }
0xc: {  	[smem:$0x3FB2] =	sst s4  }
0xd: {  	[smem:$0x3FB3] =	sst s5  }
0xe: {  	[smem:$0x3FB4] =	sst s6  }
0xf: {  	[smem:$0x3FB5] =	sst s7  }
0x10: {  	[smem:$0x3FB6] =	sst s8  }
0x11: {  	[smem:$0x3FB7] =	sst s9;
	s0 =	simm.s32 @!p0 $0x0  }
0x12: {  	s1 =	sld [smem:$0x3F9D];
	s0 =	simm.s32 @p0 $0x1  }
0x13: {  	[smem:$0x3FB8] =	sst s0;
	s0 =	simm.s32 @!p1 $0x0  }
0x14: {  	s2 =	sld [smem:$0x3F9C];
	s0 =	simm.s32 @p1 $0x1  }
0x15: {  	[smem:$0x3FB9] =	sst s0;
	s0 =	simm.s32 @!p2 $0x0  }
0x16: {  	s3 =	sld [smem:$0x3FDB];
	s0 =	simm.s32 @p2 $0x1  }
0x17: {  	s4 =	simm.s32 $0x1BF5;
	[smem:$0x3FBB] =	sst s0  }
0x18: {  	s0 =	sld [smem:$0x3F9E];
	_ =	swait.ge [sflag:s4], $0x0  }
0x19: {  	s7 =	sld [smem:$0x3F9F]  }
0x1a: {  	s8 =	sadd.s32 $0xFFFFE003, lr  }
0x1b: {  	s9 =	sadd.s32 $0xFFFFFEF7, lr;
	s5 =	simm.s32 $0xFFFFFFFF;
	p2 =	slt.u32 s8, $0xFFFFF086  }
0x1c: {  	p1 =	slt.u32 s9, $0xF7A;
	s5 =	simm.s32 @!p2 $0x0  }
0x1d: {  	s5 =	simm.s32 @p1 $0x1;
	p0 =	seq.s32 s7, s2  }
0x1e: {  	s7 =	smul.u32 @!p0 $0xF7A, s2;
	p2 =	seq.s32 @!p0 s5, $0x0  }
0x1f: {  	s9 =	smul.u32 $0xF7A, s1;
	s8 =	simm.s32 @!p0 $0x1BF5;
	p2 =	por !p2, p0  }
0x20: {  	[sflag:s8] =	ssyncset.s32 @!p0 $0xFFFFF086;
	s6 =	sadd.s32 @!p0 s3, s7;
	s7 =	simm.s32 @!p0 $0x108  }
0x21: {  	s3 =	sadd.s32 s3, s9;
	s6 =	sadd.s32 @!p0 $0x88, s6;
	s7 =	simm.s32 @p2 $0x1082  }
0x22: {  	[simem:s7], [sflag:s8] =	dma.local @!p0 [hbm:s6], $0xF7A  }
0x23: {  	s9 =	sor.u32 $0xD0000000, s2;
	s6 =	simm.s32 $0x108;
	_ =	swait.ge @!p0 [sflag:s8], $0x0  }
0x24: {  	s3 =	sadd.s32 $0x88, s3;
	s6 =	simm.s32 @!p1 $0x1082;
	[sflag:s4] =	ssyncset.s32 $0xFFFFF086  }
0x25: {  	[simem:s6], [sflag:s4] =	dma.local [hbm:s3], $0xF7A  }
0x26: {  	[smem:$0x3F9F] =	sst s1;
	(tag) =	ssettag s2;
	_ =	strace s9  }
0x27: {  	s1 =	sld [smem:$0x3FAF]  }
0x28: {  	s2 =	sld [smem:$0x3FB0]  }
0x29: {  	s4 =	sld [smem:$0x3FB2]  }
0x2a: {  	p0 =	seq.s32 s5, $0x0;
	s5 =	sld [smem:$0x3FB3]  }
0x2b: {  	s6 =	sld [smem:$0x3FB4]  }
0x2c: {  	s7 =	sld [smem:$0x3FB5]  }
0x2d: {  	s3 =	simm.s32 $0x108;
	s8 =	sld [smem:$0x3FB6]  }
0x2e: {  	s3 =	simm.s32 @!p0 $0x1082;
	s9 =	sld [smem:$0x3FB7]  }
0x2f: {  	lr =	sadd.s32 s0, s3;
	s0 =	sld [smem:$0x3FAE]  }
0x30: {  	s3 =	sld [smem:$0x3FB1]  }
0x31: {  	[smem:$0x3FBA] =	sst s10  }
0x32: {  	s10 =	sld [smem:$0x3FB8];
	_ =	sdelay $0x3  }
0x33: {  	p0 =	seq.s32 s10, $0x1;
	s10 =	sld [smem:$0x3FBA];
	_ =	sdelay $0x3  }
0x34: {  	[smem:$0x3FBA] =	sst s10  }
0x35: {  	s10 =	sld [smem:$0x3FB9];
	_ =	sdelay $0x3  }
0x36: {  	p1 =	seq.s32 s10, $0x1;
	s10 =	sld [smem:$0x3FBA];
	_ =	sdelay $0x3  }
0x37: {  	[smem:$0x3FBA] =	sst s10  }
0x38: {  	s10 =	sld [smem:$0x3FBB]  }
0x39: {  	_ = 	snop;
	(pc) =	sbr.ind lr, $3  }
0x3a: {  	_ = 	snop  }
0x3b: {  	_ = 	snop  }
0x3c: {  	p2 =	seq.s32 s10, $0x1;
	s10 =	sld [smem:$0x3FBA]  }
0x3d: {  	_ =	shalt  }
0x3e: {  	_ =	shalt  }
0x3f: {  	_ =	shalt  }
0x40: {  	_ =	shalt  }
0x41: {  	_ =	shalt  }
0x42: {  	_ =	shalt  }
0x43: {  	_ =	shalt  }
0x44: {  	_ =	shalt  }
0x45: {  	_ =	shalt  }
0x46: {  	_ =	shalt  }
0x47: {  	_ =	shalt  }
0x48: {  	_ =	shalt  }
0x49: {  	_ =	shalt  }
0x4a: {  	_ =	shalt  }
0x4b: {  	_ =	shalt  }
0x4c: {  	_ =	shalt  }
0x4d: {  	_ =	shalt  }
0x4e: {  	_ =	shalt  }
0x4f: {  	_ =	shalt  }
0x50: {  	_ =	shalt  }
0x51: {  	_ =	shalt  }
0x52: {  	_ =	shalt  }
0x53: {  	_ =	shalt  }
0x54: {  	_ =	shalt  }
0x55: {  	_ =	shalt  }
0x56: {  	_ =	shalt  }
0x57: {  	_ =	shalt  }
0x58: {  	_ =	shalt  }
0x59: {  	_ =	shalt  }
0x5a: {  	_ =	shalt  }
0x5b: {  	_ =	shalt  }
0x5c: {  	_ =	shalt  }
0x5d: {  	_ =	shalt  }
0x5e: {  	_ =	shalt  }
0x5f: {  	_ =	shalt  }
0x60: {  	_ =	shalt  }
0x61: {  	_ =	shalt  }
0x62: {  	_ =	shalt  }
0x63: {  	_ =	shalt  }
0x64: {  	_ =	shalt  }
0x65: {  	_ =	shalt  }
0x66: {  	_ =	shalt  }
0x67: {  	_ =	shalt  }
0x68: {  	_ =	shalt  }
0x69: {  	_ =	shalt  }
0x6a: {  	_ =	shalt  }
0x6b: {  	_ =	shalt  }
0x6c: {  	_ =	shalt  }
0x6d: {  	_ =	shalt  }
0x6e: {  	_ =	shalt  }
0x6f: {  	_ =	shalt  }
0x70: {  	_ =	shalt  }
0x71: {  	_ =	shalt  }
0x72: {  	_ =	shalt  }
0x73: {  	_ =	shalt  }
0x74: {  	_ =	shalt  }
0x75: {  	_ =	shalt  }
0x76: {  	_ =	shalt  }
0x77: {  	_ =	shalt  }
0x78: {  	_ =	shalt  }
0x79: {  	_ =	shalt  }
0x7a: {  	_ =	shalt  }
0x7b: {  	_ =	shalt  }
0x7c: {  	_ =	shalt  }
0x7d: {  	_ =	shalt  }
0x7e: {  	_ =	shalt  }
0x7f: {  	_ =	shalt  }
0x80: {  	_ =	shalt  }
0x81: {  	_ =	shalt  }
0x82: {  	_ =	shalt  }
0x83: {  	_ =	shalt  }
0x84: {  	_ =	shalt  }
0x85: {  	_ =	shalt  }
0x86: {  	_ =	shalt  }
0x87: {  	_ =	shalt  }
.Lfunc_end0:
.L_simem_size_0:
called_computation.1_lowered:
.L_overlay_start_0:
0x88: {  	s2 =	sld [smem:$0x3FD9]  }
0x89: {  	s3 =	sld [smem:$0x3FFE];
	_ =	sdelay $0x1  }
0x8a: {  	s1 =	srdreg.scid  }
0x8b: {  	s0 =	sand.u32 $0x1, s1  }
0x8c: {  	s17 =	sshll.u32 s0, $0xA;
	s2 =	sadd.s32 s3, s2  }
0x8d: {  	s2 =	sadd.s32 s2, s17  }
0x8e: {  	[smem:$0x3FC6] =	sst s2  }
0x8f: {  	_ = 	snop  }
0x90: {  	s2 =	sld [smem:$0x3FD0];
	(tm) =	ssettm $0x1  }
0x91: {  	s18 =	sld [smem:$0x3FFB];
	_ =	sdelay $0x3  }
0x92: {  	_ =	strace s18  }
0x93: {  	s3 =	sld [smem:$0x3FFC];
	_ =	sdelay $0x3  }
0x94: {  	_ =	strace s3  }
0x95: {  	s3 =	sld [smem:$0x3FFD];
	_ =	sdelay $0x3  }
0x96: {  	_ =	strace s3  }
0x97: {  	_ =	strace $0x8FFFFFFF  }
0x98: {  	s19 =	sld [smem:$0x3FDB];
	_ =	sdelay $0x1  }
0x99: {  	s4 =	simm.s32 $_scs_section_size  }
0x9a: {  	s5 =	simm.s32 $_size__tile_overlayer_lowered;
	s6 =	simm.s32 $_tile_overlayer_lowered  }
0x9b: {  	s22 =	simm.s32 $0x1BFF;
	s21 =	sshll.u32 s6, $0x1;
	s3 =	sadd.s32 s4, s19  }
0x9c: {  	s7 =	simm.s32 $0x0;
	s20 =	sshll.u32 s5, $0x1;
	s5 =	sadd.s32 s21, s3  }
0x9d: {  	[timem:s7], [sflag:s22] =	dma.local [hbm:s5], s20  }
0x9e: {  	_ =	swait.ge [sflag:s22], s20  }
0x9f: {  	s4 =	ssub.s32 $0x0, s20;
	[sflag:s22] =	ssyncset.done $0x0  }
0xa0: {  	[sflag:s22] =	ssyncadd.s32 s4;
	_ =	sdelay $0x1  }
0xa1: {  	s23 =	simm.s32 $0x1B8B  }
0xa2: {  	_ =	swait.ge [sflag:s23], $0x1  }
0xa3: {  	[sflag:s23] =	ssyncset.done $0x0  }
0xa4: {  	s25 =	simm.s32 $0x1B8E;
	s24 =	sld [smem:$0x3FFE];
	[sflag:s23] =	ssyncadd.s32 $0xFFFFFFFF  }
0xa5: {  	s26 =	simm.s32 $execute0_lowered;
	[smem:$0x3FD2] =	sst s25  }
0xa6: {  	s5 =	sshll.u32 s26, $0x1;
	_ =	strace $0x80000046;
	[dreg:$0x1] =	wrdreg $0xFFFFFFFF  }
0xa7: {  	s28 =	simm.s32 $_size_execute0_lowered;
	s3 =	sadd.s32 s3, s5;
	[dreg:$0x0] =	wrdreg $0x0  }
0xa8: {  	s5 =	sshll.u32 s28, $0x1;
	[dreg:$0x2] =	wrdreg s3  }
0xa9: {  	[dreg:$0x3] =	wrdreg s5  }
0xaa: {  	[dreg:$0x4] =	wrdreg $0xC0  }
0xab: {  	_ =	task [dreg:s7], $0x5FFFF  }
0xac: {  	[dreg:$0x1] =	wrdreg $0xFFFFFFFF  }
0xad: {  	[dreg:$0x0] =	wrdreg $0x60  }
0xae: {  	[dreg:$0x2] =	wrdreg s2  }
0xaf: {  	[dreg:$0x3] =	wrdreg s24  }
0xb0: {  	[dreg:$0x4] =	wrdreg $0x9  }
0xb1: {  	_ =	task.clear_ibuf [dreg:s7], $0x5FFFF;
	_ =	strace $0x90000046  }
0xb2: {  	s29 =	simm.s32 $0x9;
	_ =	strace $0x80000048  }
0xb3: {  	_ =	swait.ge [sflag:s29], $0x1  }
0xb4: {  	[sflag:s29] =	ssyncadd.s32 $0xFFFFFFFF  }
0xb5: {  	_ =	strace $0x90000048  }
0xb6: {  	_ =	sfence  }
0xb7: {  	s30 =	sld [smem:$0x0];
	_ =	sdelay $0x2  }
0xb8: {  	s31 =	sshll.u32 s1, $0xD;
	s1 =	sshrl.u32 s1, $0x2  }
0xb9: {  	s3 =	sand.u32 $0x4000, s31;
	s1 =	sadd.s32 s1, s30  }
0xba: {  	s0 =	sor.u32 s3, s0;
	s1 =	sshll.u32 s1, $0x11  }
0xbb: {  	s0 =	sor.u32 s1, s0  }
0xbc: {  	s0 =	sadd.s32 $0x8F2B, s0  }
0xbd: {  	[sflag:s0] =	ssyncadd.remote.s32 $0x1  }
0xbe: {  	_ =	sfence.sel $0xFFFF  }
0xbf: {  	[dreg:$0x0] =	wrdreg $0xFFFFFFFF;
	(pc) =	sbr.abs _section_cstart, $3  }
0xc0: {  	[dreg:$0x1] =	wrdreg $0xFFFFFFFF  }
0xc1: {  	_ =	task.clear_ibuf [dreg:s7], $0x2FFFF;
	_ =	strace $0x9FFFFFFF  }
0xc2: {  	(tm) =	ssettm $0x7FFFFFFF  }
0xc3: {  	_ =	shalt  }
tec
execute0_lowered:
.L_overlay_start_1:
0x0: {  	(tag) =	ssettag $0x1  }
0x1: {  	s0 =	rddreg [dreg:$0x0]  }
0x2: {  	s1 =	rddreg [dreg:$0x1];
	s3 =	srdreg.scid  }
0x3: {  	s12 =	stileid.u32;
	s2 =	simm.s32 $0x0;
	s16 =	simm.s32 $0x9  }
0x4: {  	s17 =	simm.s32 $0x80;
	s18 =	simm.s32 $0x6400;
	s19 =	simm.s32 $0xA400  }
0x5: {  	s21 =	simm.s32 $0xE400;
	s28 =	simm.s32 $0x6;
	s31 =	simm.s32 $0x3  }
0x6: {  	s20 =	simm.s32 $0x8;
	s30 =	simm.s32 $0x0;
	s4 =	sand.u32 $0x1, s3  }
0x7: {  	s22 =	sshll.u32 s12, $0x1;
	[smem:$0x7FF] =	sst s2;
	s23 =	smul.u32 $0x190, s12  }
0x8: {  	s5 =	sor.u32 s4, s22;
	s7 =	ssub.s32 $0x2, s4;
	s4 =	smul.u32 $0xC8, s4  }
0x9: {  	s3 =	sadd.s32 $0xF42E00, s1;
	s9 =	sadd.s32 $0xA00, s1;
	s6 =	smul.u32 $0xC80, s5  }
0xa: {  	s1 =	sadd.s32 $0x1200, s1;
	s8 =	smul.u32 $0x64000, s5;
	s10 =	sshrl.u32 s7, $0x1  }
0xb: {  	_ =	strace $0x80000047;
	s11 =	smul.u32 $0x320000, s5;
	s13 =	ssub.s32 s7, s10  }
0xc: {  	s0 =	sadd.s32 s0, s6;
	s5 =	sadd.s32 s9, s8;
	s24 =	sadd.s32 s8, s1  }
0xd: {  	s26 =	sshrl.u32 s11, $0x3;
	s13 =	smax.u32 s13, $0x1;
	[dreg:$0x3] =	wrdreg s0  }
0xe: {  	[dreg:$0x4] =	wrdreg s24;
	s25 =	sadd.s32 $0x1000, s5;
	s29 =	sadd.s32 $0x1800, s5  }
0xf: {  	s6 =	sadd.s32 s9, s26;
	s0 =	sadd.s32 s4, s23;
	s23 =	simm.s32 $0x12400  }
0x10: {  	s24 =	simm.s32 $0x1;
	s26 =	simm.s32 $0x5;
	[dreg:$0x5] =	wrdreg s25  }
0x11: {  	[dreg:$0x6] =	wrdreg s29;
	s9 =	sadd.s32 $0x62000, s6;
	s10 =	sadd.s32 $0x62800, s6  }
0x12: {  	s0 =	sshll.u32 s0, $0xB;
	s11 =	sadd.s32 $0x63000, s6;
	s12 =	sadd.s32 $0x63800, s6  }
0x13: {  	s25 =	simm.s32 $0x2;
	s0 =	sadd.s32 s0, s1;
	s1 =	simm.s32 $0x7  }
0x14: {  	s14 =	sadd.s32 $0x2000, s0;
	s6 =	sadd.s32 $0x3000, s0;
	s0 =	simm.s32 $0x4  }
.LBB2_1:
0x15: {  	s4 =	rddreg [dreg:$0x3]  }
0x16: {  	[tilespmem:s2], [sflag:$0x9] =	stream.linear.gather [hbm4b:s4+s2], $0x6400, $0x38;
	[tilespmem:$0x16400] =	vst v63  }
0x17: {  	_ =	swait.ge [sflag:s16], $0x6400  }
0x18: {  	[sflag:s16] =	ssyncset.done $0x0  }
0x19: {  	[sflag:s16] =	ssyncadd.s32 $0xFFFF9C00  }
0x1a: {  	[tilespmem:s18], [sflag:$0x1] =	stream.indirect.gather [hbm4b:s3+s17], $0x80, s2, s17, $0xb8;
	[tilespmem:$0x16400] =	vst v63  }
0x1b: {  	_ = 	snop  }
0x1c: {  	[tilespmem:s19], [sflag:$0x2] =	stream.indirect.gather [hbm4b:s3+s17], $0x80, s17, s17, $0xb8;
	[tilespmem:$0x16400] =	vst v63  }
0x1d: {  	s22 =	simm.s32 $0x100  }
0x1e: {  	[tilespmem:s21], [sflag:$0x3] =	stream.indirect.gather [hbm4b:s3+s17], $0x80, s22, s17, $0xb8;
	[tilespmem:$0x16400] =	vst v63  }
0x1f: {  	s7 =	simm.s32 $0x180  }
0x20: {  	[tilespmem:s23], [sflag:$0x4] =	stream.indirect.gather [hbm4b:s3+s17], $0x80, s7, s17, $0xb8;
	[tilespmem:$0x16400] =	vst v63  }
0x21: {  	_ =	swait.ge [sflag:s24], $0x4000  }
0x22: {  	[sflag:s24] =	ssyncset.done $0x0  }
0x23: {  	[sflag:s24] =	ssyncadd.s32 $0xFFFFC000  }
0x24: {  	[hbm4b:s5+s2] =	stream.linear.scatter [tilespmem:s18], [sflag:$0x5], $0x4000, $0x38;
	[tilespmem:$0x16400] =	vst v63  }
0x25: {  	_ =	swait.ge [sflag:s25], $0x4000  }
0x26: {  	[sflag:s25] =	ssyncset.done $0x0  }
0x27: {  	s8 =	rddreg [dreg:$0x4];
	[sflag:s25] =	ssyncadd.s32 $0xFFFFC000  }
0x28: {  	[hbm4b:s8+s2] =	stream.linear.scatter [tilespmem:s19], [sflag:$0x6], $0x4000, $0x38;
	[tilespmem:$0x16400] =	vst v63  }
0x29: {  	_ =	swait.ge [sflag:s26], $0x4000  }
0x2a: {  	[sflag:s26] =	ssyncset.done $0x0  }
0x2b: {  	[sflag:s26] =	ssyncadd.s32 $0xFFFFC000  }
0x2c: {  	_ =	swait.ge [sflag:s28], $0x4000  }
0x2d: {  	[sflag:s28] =	ssyncset.done $0x0  }
0x2e: {  	s15 =	simm.s32 $0x200;
	[sflag:s28] =	ssyncadd.s32 $0xFFFFC000  }
0x2f: {  	[tilespmem:s18], [sflag:$0x1] =	stream.indirect.gather [hbm4b:s3+s17], $0x80, s15, s17, $0xb8;
	[tilespmem:$0x16400] =	vst v63  }
0x30: {  	s22 =	simm.s32 $0x280  }
0x31: {  	[tilespmem:s19], [sflag:$0x2] =	stream.indirect.gather [hbm4b:s3+s17], $0x80, s22, s17, $0xb8;
	[tilespmem:$0x16400] =	vst v63  }
0x32: {  	_ =	swait.ge [sflag:s31], $0x4000  }
0x33: {  	[sflag:s31] =	ssyncset.done $0x0  }
0x34: {  	s7 =	rddreg [dreg:$0x5];
	[sflag:s31] =	ssyncadd.s32 $0xFFFFC000  }
0x35: {  	[hbm4b:s7+s2] =	stream.linear.scatter [tilespmem:s21], [sflag:$0x7], $0x4000, $0x38;
	[tilespmem:$0x16400] =	vst v63  }
0x36: {  	_ =	swait.ge [sflag:s0], $0x4000  }
0x37: {  	[sflag:s0] =	ssyncset.done $0x0  }
0x38: {  	s8 =	rddreg [dreg:$0x6];
	[sflag:s0] =	ssyncadd.s32 $0xFFFFC000  }
0x39: {  	[hbm4b:s8+s2] =	stream.linear.scatter [tilespmem:s23], [sflag:$0x8], $0x4000, $0x38;
	[tilespmem:$0x16400] =	vst v63  }
0x3a: {  	_ =	swait.ge [sflag:s1], $0x4000  }
0x3b: {  	[sflag:s1] =	ssyncset.done $0x0  }
0x3c: {  	[sflag:s1] =	ssyncadd.s32 $0xFFFFC000  }
0x3d: {  	_ =	swait.ge [sflag:s20], $0x4000  }
0x3e: {  	[sflag:s20] =	ssyncset.done $0x0  }
0x3f: {  	s15 =	simm.s32 $0x300;
	[sflag:s20] =	ssyncadd.s32 $0xFFFFC000  }
0x40: {  	[tilespmem:s21], [sflag:$0x3] =	stream.indirect.gather [hbm4b:s3+s17], $0x80, s15, s17, $0xb8;
	[tilespmem:$0x16400] =	vst v63  }
0x41: {  	s22 =	simm.s32 $0x380  }
0x42: {  	[tilespmem:s23], [sflag:$0x4] =	stream.indirect.gather [hbm4b:s3+s17], $0x80, s22, s17, $0xb8;
	[tilespmem:$0x16400] =	vst v63  }
0x43: {  	_ =	swait.ge [sflag:s24], $0x4000  }
0x44: {  	[sflag:s24] =	ssyncset.done $0x0  }
0x45: {  	s7 =	sadd.s32 $0xFFFFF800, s14;
	[sflag:s24] =	ssyncadd.s32 $0xFFFFC000  }
0x46: {  	[hbm4b:s7+s2] =	stream.linear.scatter [tilespmem:s18], [sflag:$0x5], $0x4000, $0x38;
	[tilespmem:$0x16400] =	vst v63  }
0x47: {  	_ =	swait.ge [sflag:s25], $0x4000  }
0x48: {  	[sflag:s25] =	ssyncset.done $0x0  }
0x49: {  	[sflag:s25] =	ssyncadd.s32 $0xFFFFC000  }
0x4a: {  	[hbm4b:s14+s2] =	stream.linear.scatter [tilespmem:s19], [sflag:$0x6], $0x4000, $0x38;
	[tilespmem:$0x16400] =	vst v63  }
0x4b: {  	_ =	swait.ge [sflag:s26], $0x4000  }
0x4c: {  	[sflag:s26] =	ssyncset.done $0x0  }
0x4d: {  	[sflag:s26] =	ssyncadd.s32 $0xFFFFC000  }
0x4e: {  	_ =	swait.ge [sflag:s28], $0x4000  }
0x4f: {  	[sflag:s28] =	ssyncset.done $0x0  }
0x50: {  	s8 =	simm.s32 $0x400;
	[sflag:s28] =	ssyncadd.s32 $0xFFFFC000  }
0x51: {  	[tilespmem:s18], [sflag:$0x1] =	stream.indirect.gather [hbm4b:s3+s17], $0x80, s8, s17, $0xb8;
	[tilespmem:$0x16400] =	vst v63  }
0x52: {  	s15 =	simm.s32 $0x480  }
0x53: {  	[tilespmem:s19], [sflag:$0x2] =	stream.indirect.gather [hbm4b:s3+s17], $0x80, s15, s17, $0xb8;
	[tilespmem:$0x16400] =	vst v63  }
0x54: {  	_ =	swait.ge [sflag:s31], $0x4000  }
0x55: {  	[sflag:s31] =	ssyncset.done $0x0  }
0x56: {  	s22 =	sadd.s32 $0xFFFFF800, s6;
	[sflag:s31] =	ssyncadd.s32 $0xFFFFC000  }
0x57: {  	[hbm4b:s22+s2] =	stream.linear.scatter [tilespmem:s21], [sflag:$0x7], $0x4000, $0x38;
	[tilespmem:$0x16400] =	vst v63  }
0x58: {  	_ =	swait.ge [sflag:s0], $0x4000  }
0x59: {  	s29 =	sadd.s32 $0x2000, s14;
	s4 =	sadd.s32 $0x2000, s6;
	[sflag:s0] =	ssyncset.done $0x0  }
0x5a: {  	s15 =	smov.u32 s6;
	s22 =	simm.s32 $0x800;
	[sflag:s0] =	ssyncadd.s32 $0xFFFFC000  }
.LBB2_2:
0x5b: {  	[hbm4b:s15+s2] =	stream.linear.scatter [tilespmem:s23], [sflag:$0x8], $0x4000, $0x38;
	[tilespmem:$0x16400] =	vst v63  }
0x5c: {  	s7 =	smov.u32 s22;
	s15 =	smov.u32 s4  }
0x5d: {  	p0 =	sne.s32 s22, $0x17800;
	s22 =	sadd.s32 $0x800, s22;
	_ =	swait.ge [sflag:s1], $0x4000  }
0x5e: {  	[sflag:s1] =	ssyncset.done $0x0  }
0x5f: {  	[sflag:s1] =	ssyncadd.s32 $0xFFFFC000  }
0x60: {  	_ =	swait.ge [sflag:s20], $0x4000  }
0x61: {  	s7 =	sshra.s32 s7, $0x2;
	[sflag:s20] =	ssyncset.done $0x0  }
0x62: {  	s8 =	sadd.s32 $0x300, s7;
	[sflag:s20] =	ssyncadd.s32 $0xFFFFC000  }
0x63: {  	[tilespmem:s21], [sflag:$0x3] =	stream.indirect.gather [hbm4b:s3+s17], $0x80, s8, s17, $0xb8;
	[tilespmem:$0x16400] =	vst v63  }
0x64: {  	s8 =	sadd.s32 $0x380, s7  }
0x65: {  	[tilespmem:s23], [sflag:$0x4] =	stream.indirect.gather [hbm4b:s3+s17], $0x80, s8, s17, $0xb8;
	[tilespmem:$0x16400] =	vst v63  }
0x66: {  	_ =	swait.ge [sflag:s24], $0x4000  }
0x67: {  	[sflag:s24] =	ssyncset.done $0x0  }
0x68: {  	s8 =	sadd.s32 $0xFFFFF800, s29;
	[sflag:s24] =	ssyncadd.s32 $0xFFFFC000  }
0x69: {  	[hbm4b:s8+s2] =	stream.linear.scatter [tilespmem:s18], [sflag:$0x5], $0x4000, $0x38;
	[tilespmem:$0x16400] =	vst v63  }
0x6a: {  	_ =	swait.ge [sflag:s25], $0x4000  }
0x6b: {  	[sflag:s25] =	ssyncset.done $0x0  }
0x6c: {  	[sflag:s25] =	ssyncadd.s32 $0xFFFFC000  }
0x6d: {  	[hbm4b:s29+s2] =	stream.linear.scatter [tilespmem:s19], [sflag:$0x6], $0x4000, $0x38;
	[tilespmem:$0x16400] =	vst v63  }
0x6e: {  	_ =	swait.ge [sflag:s26], $0x4000  }
0x6f: {  	[sflag:s26] =	ssyncset.done $0x0  }
0x70: {  	[sflag:s26] =	ssyncadd.s32 $0xFFFFC000  }
0x71: {  	_ =	swait.ge [sflag:s28], $0x4000  }
0x72: {  	[sflag:s28] =	ssyncset.done $0x0  }
0x73: {  	s8 =	sadd.s32 $0x400, s7;
	[sflag:s28] =	ssyncadd.s32 $0xFFFFC000  }
0x74: {  	[tilespmem:s18], [sflag:$0x1] =	stream.indirect.gather [hbm4b:s3+s17], $0x80, s8, s17, $0xb8;
	[tilespmem:$0x16400] =	vst v63  }
0x75: {  	s7 =	sadd.s32 $0x480, s7  }
0x76: {  	[tilespmem:s19], [sflag:$0x2] =	stream.indirect.gather [hbm4b:s3+s17], $0x80, s7, s17, $0xb8;
	[tilespmem:$0x16400] =	vst v63  }
0x77: {  	_ =	swait.ge [sflag:s31], $0x4000  }
0x78: {  	[sflag:s31] =	ssyncset.done $0x0  }
.Ltmp0:
0x79: {  	s7 =	sadd.s32 $0xFFFFF800, s4;
	[sflag:s31] =	ssyncadd.s32 $0xFFFFC000;
	(pc) =	sbr.rel @p0 .LBB2_2-.Ltmp0, $4  }
0x7a: {  	[hbm4b:s7+s2] =	stream.linear.scatter [tilespmem:s21], [sflag:$0x7], $0x4000, $0x38;
	[tilespmem:$0x16400] =	vst v63  }
0x7b: {  	_ =	swait.ge [sflag:s0], $0x4000  }
0x7c: {  	[sflag:s0] =	ssyncset.done $0x0  }
0x7d: {  	s29 =	sadd.s32 $0x2000, s29;
	s4 =	sadd.s32 $0x2000, s4;
	[sflag:s0] =	ssyncadd.s32 $0xFFFFC000  }
0x7e: {  	[hbm4b:s15+s2] =	stream.linear.scatter [tilespmem:s23], [sflag:$0x8], $0x4000, $0x38;
	[tilespmem:$0x16400] =	vst v63  }
0x7f: {  	_ =	swait.ge [sflag:s1], $0x4000  }
0x80: {  	[sflag:s1] =	ssyncset.done $0x0  }
0x81: {  	[sflag:s1] =	ssyncadd.s32 $0xFFFFC000  }
0x82: {  	_ =	swait.ge [sflag:s20], $0x4000  }
0x83: {  	[sflag:s20] =	ssyncset.done $0x0  }
0x84: {  	s4 =	simm.s32 $0x6300;
	[sflag:s20] =	ssyncadd.s32 $0xFFFFC000  }
0x85: {  	[tilespmem:s21], [sflag:$0x3] =	stream.indirect.gather [hbm4b:s3+s17], $0x80, s4, s17, $0xb8;
	[tilespmem:$0x16400] =	vst v63  }
0x86: {  	s29 =	simm.s32 $0x6380  }
0x87: {  	[tilespmem:s23], [sflag:$0x4] =	stream.indirect.gather [hbm4b:s3+s17], $0x80, s29, s17, $0xb8;
	[tilespmem:$0x16400] =	vst v63  }
0x88: {  	_ =	swait.ge [sflag:s24], $0x4000  }
0x89: {  	[sflag:s24] =	ssyncset.done $0x0  }
0x8a: {  	[sflag:s24] =	ssyncadd.s32 $0xFFFFC000  }
0x8b: {  	[hbm4b:s9+s2] =	stream.linear.scatter [tilespmem:s18], [sflag:$0x5], $0x4000, $0x38;
	[tilespmem:$0x16400] =	vst v63  }
0x8c: {  	_ =	swait.ge [sflag:s25], $0x4000  }
0x8d: {  	[sflag:s25] =	ssyncset.done $0x0  }
0x8e: {  	[sflag:s25] =	ssyncadd.s32 $0xFFFFC000  }
0x8f: {  	[hbm4b:s10+s2] =	stream.linear.scatter [tilespmem:s19], [sflag:$0x6], $0x4000, $0x38;
	[tilespmem:$0x16400] =	vst v63  }
0x90: {  	_ =	swait.ge [sflag:s26], $0x4000  }
0x91: {  	[sflag:s26] =	ssyncset.done $0x0  }
0x92: {  	[sflag:s26] =	ssyncadd.s32 $0xFFFFC000  }
0x93: {  	_ =	swait.ge [sflag:s28], $0x4000  }
0x94: {  	[sflag:s28] =	ssyncset.done $0x0  }
0x95: {  	[sflag:s28] =	ssyncadd.s32 $0xFFFFC000  }
0x96: {  	_ =	swait.ge [sflag:s31], $0x4000  }
0x97: {  	[sflag:s31] =	ssyncset.done $0x0  }
0x98: {  	[sflag:s31] =	ssyncadd.s32 $0xFFFFC000  }
0x99: {  	[hbm4b:s11+s2] =	stream.linear.scatter [tilespmem:s21], [sflag:$0x7], $0x4000, $0x38;
	[tilespmem:$0x16400] =	vst v63  }
0x9a: {  	_ =	swait.ge [sflag:s0], $0x4000  }
0x9b: {  	[sflag:s0] =	ssyncset.done $0x0  }
0x9c: {  	s30 =	sadd.s32 $0x1, s30;
	[sflag:s0] =	ssyncadd.s32 $0xFFFFC000  }
0x9d: {  	[hbm4b:s12+s2] =	stream.linear.scatter [tilespmem:s23], [sflag:$0x8], $0x4000, $0x38;
	[tilespmem:$0x16400] =	vst v63  }
0x9e: {  	p0 =	sne.s32 s30, s13;
	_ =	swait.ge [sflag:s1], $0x4000  }
.Ltmp1:
0x9f: {  	[sflag:s1] =	ssyncset.done $0x0;
	(pc) =	sbr.rel @p0 .LBB2_1-.Ltmp1, $4  }
0xa0: {  	[sflag:s1] =	ssyncadd.s32 $0xFFFFC000  }
0xa1: {  	_ =	swait.ge [sflag:s20], $0x4000  }
0xa2: {  	[sflag:s20] =	ssyncset.done $0x0  }
0xa3: {  	[sflag:s20] =	ssyncadd.s32 $0xFFFFC000  }
0xa4: {  	_ =	sfence.sel $0x180000  }
0xa5: {  	[bflag:$0x0] =	sbarrier.arrive $0xFFFF  }
0xa6: {  	_ =	strace $0x90000047  }
0xa7: {  	s0 =	stileid.u32;
	[bflag:$0x2] =	sbarrier.arrive $0xFFFF  }
0xa8: {  	p0 =	sne.s32 s0, $0x0;
	s0 =	rddreg [dreg:$0x2]  }
0xa9: {  	s0 =	sadd.s32 @!p0 $0x100000, s0  }
0xaa: {  	[sflag:s0] =	ssyncadd.tile.s32 @!p0 $0x1;
	_ =	shalt  }
.Lfunc_end2:
_tile_overlayer_lowered:
.L_overlay_start_2:
0xab: {  	(tag) =	ssettag $0x2  }
0xac: {  	s0 =	rddreg [dreg:$0x0];
	s2 =	stileid.u32  }
0xad: {  	s1 =	rddreg [dreg:$0x1];
	p0 =	sne.s32 s2, $0x0  }
0xae: {  	s3 =	rddreg [dreg:$0x2];
	[bflag:$0x3] =	sbarrier.arrive $0xFFFF;
	s2 =	simm.s32 @!p0 $0x1C09  }
0xaf: {  	[timem:s3], [sflag:s2] =	dma.local @!p0 [hbm:s0], s1  }
0xb0: {  	s0 =	simm.s32 @!p0 $0x9  }
0xb1: {  	_ =	swait.ge @!p0 [sflag:s0], s1  }
0xb2: {  	s1 =	ssub.s32 @!p0 $0x0, s1;
	[sflag:s0] =	ssyncset.done @!p0 $0x0  }
0xb3: {  	[sflag:s0] =	ssyncadd.s32 @!p0 s1  }
0xb4: {  	[bflag:$0x3] =	sbarrier.arrive $0xFFFF  }
0xb5: {  	_ =	shalt  }

// kernel: sparse-core-data-format-call.cloned.1.call-start
scs
called_computation_lowered:
.L_overlay_start_0:
0x0: {  	s2 =	sld [smem:$0x3FD9]  }
0x1: {  	s3 =	sld [smem:$0x3FFE];
	_ =	sdelay $0x1  }
0x2: {  	s1 =	srdreg.scid  }
0x3: {  	s0 =	sand.u32 $0x1, s1  }
0x4: {  	s18 =	sshll.u32 s0, $0xA;
	s2 =	sadd.s32 s3, s2  }
0x5: {  	s2 =	sadd.s32 s2, s18  }
0x6: {  	[smem:$0x3FC6] =	sst s2  }
0x7: {  	_ = 	snop  }
0x8: {  	s2 =	sld [smem:$0x3FD0];
	(tm) =	ssettm $0x1  }
0x9: {  	s19 =	sld [smem:$0x3FFB];
	_ =	sdelay $0x3  }
0xa: {  	_ =	strace s19  }
0xb: {  	s3 =	sld [smem:$0x3FFC];
	_ =	sdelay $0x3  }
0xc: {  	_ =	strace s3  }
0xd: {  	s3 =	sld [smem:$0x3FFD];
	_ =	sdelay $0x3  }
0xe: {  	_ =	strace s3  }
0xf: {  	_ =	strace $0x8FFFFFFF  }
0x10: {  	s20 =	sld [smem:$0x3FDB];
	_ =	sdelay $0x1  }
0x11: {  	s4 =	simm.s32 $_scs_section_size  }
0x12: {  	s5 =	simm.s32 $_size__tile_overlayer_lowered;
	s6 =	simm.s32 $_tile_overlayer_lowered  }
0x13: {  	s23 =	simm.s32 $0x1BFF;
	s22 =	sshll.u32 s6, $0x1;
	s3 =	sadd.s32 s4, s20  }
0x14: {  	s7 =	simm.s32 $0x0;
	s21 =	sshll.u32 s5, $0x1;
	s5 =	sadd.s32 s22, s3  }
0x15: {  	[timem:s7], [sflag:s23] =	dma.local [hbm:s5], s21  }
0x16: {  	_ =	swait.ge [sflag:s23], s21  }
0x17: {  	s4 =	ssub.s32 $0x0, s21;
	[sflag:s23] =	ssyncset.done $0x0  }
0x18: {  	[sflag:s23] =	ssyncadd.s32 s4;
	_ =	sdelay $0x1  }
0x19: {  	s24 =	simm.s32 $0x1B8B  }
0x1a: {  	_ =	swait.ge [sflag:s24], $0x1  }
0x1b: {  	[sflag:s24] =	ssyncset.done $0x0  }
0x1c: {  	s26 =	simm.s32 $0x1B8E;
	s25 =	sld [smem:$0x3FFE];
	[sflag:s24] =	ssyncadd.s32 $0xFFFFFFFF  }
0x1d: {  	s27 =	simm.s32 $execute0_lowered;
	[smem:$0x3FD2] =	sst s26  }
0x1e: {  	s5 =	sshll.u32 s27, $0x1;
	_ =	strace $0x80000049;
	[dreg:$0x1] =	wrdreg $0xFFFFFFFF  }
0x1f: {  	s28 =	simm.s32 $_size_execute0_lowered;
	s3 =	sadd.s32 s3, s5;
	[dreg:$0x0] =	wrdreg $0x0  }
0x20: {  	s5 =	sshll.u32 s28, $0x1;
	[dreg:$0x2] =	wrdreg s3  }
0x21: {  	[dreg:$0x3] =	wrdreg s5  }
0x22: {  	[dreg:$0x4] =	wrdreg $0xC0  }
0x23: {  	_ =	task [dreg:s7], $0x5FFFF  }
0x24: {  	[dreg:$0x1] =	wrdreg $0xFFFFFFFF  }
0x25: {  	[dreg:$0x0] =	wrdreg $0x60  }
0x26: {  	[dreg:$0x2] =	wrdreg s25  }
0x27: {  	[dreg:$0x3] =	wrdreg s2  }
0x28: {  	[dreg:$0x4] =	wrdreg $0x9  }
0x29: {  	_ =	task.clear_ibuf [dreg:s7], $0x5FFFF;
	_ =	strace $0x90000049  }
0x2a: {  	s29 =	simm.s32 $0x9;
	_ =	strace $0x8000004B  }
0x2b: {  	_ =	swait.ge [sflag:s29], $0x1  }
0x2c: {  	[sflag:s29] =	ssyncadd.s32 $0xFFFFFFFF  }
0x2d: {  	_ =	strace $0x9000004B  }
0x2e: {  	_ =	sfence  }
0x2f: {  	s30 =	sld [smem:$0x0];
	_ =	sdelay $0x2  }
0x30: {  	s31 =	sshll.u32 s1, $0xD;
	s1 =	sshrl.u32 s1, $0x2  }
0x31: {  	s3 =	sand.u32 $0x4000, s31;
	s1 =	sadd.s32 s1, s30  }
0x32: {  	s0 =	sor.u32 s3, s0;
	s1 =	sshll.u32 s1, $0x11  }
0x33: {  	s0 =	sor.u32 s1, s0  }
0x34: {  	s0 =	sadd.s32 $0x8F2B, s0  }
0x35: {  	[sflag:s0] =	ssyncadd.remote.s32 $0x1  }
0x36: {  	_ =	sfence.sel $0xFFFF  }
0x37: {  	[dreg:$0x0] =	wrdreg $0xFFFFFFFF;
	(pc) =	sbr.abs _section_cstart, $3  }
0x38: {  	[dreg:$0x1] =	wrdreg $0xFFFFFFFF  }
0x39: {  	_ =	task.clear_ibuf [dreg:s7], $0x2FFFF;
	_ =	strace $0x9FFFFFFF  }
0x3a: {  	(tm) =	ssettm $0x7FFFFFFF  }
0x3b: {  	_ =	shalt  }
tec
execute0_lowered:
.L_overlay_start_1:
0x0: {  	(tag) =	ssettag $0x1  }
0x1: {  	s0 =	srdreg.scid  }
0x2: {  	s1 =	sshll.u32 s0, $0x4  }
0x3: {  	s0 =	stileid.u32;
	s1 =	sand.u32 $0x10, s1  }
0x4: {  	s1 =	sor.u32 s0, s1  }
0x5: {  	s6 =	rddreg [dreg:$0x0];
	s4 =	simm.s32 $0x1;
	s2 =	sshll.u32 s1, $0x7  }
0x6: {  	s7 =	simm.s32 $0x2;
	s12 =	simm.s32 $0x0;
	s1 =	ssub.s32 $0x1000, s2  }
0x7: {  	s8 =	simm.s32 $0x8000;
	s13 =	simm.s32 $0x0;
	s3 =	sand.u32 $0xF80, s1  }
0x8: {  	s9 =	simm.s32 $0x0;
	s5 =	sshrl.u32 s1, $0xC;
	p0 =	sne.s32 s3, $0x0  }
.Ltmp0:
0x9: {  	s1 =	rddreg [dreg:$0x2];
	s4 =	simm.s32 @!p0 $0x0;
	(pc) =	sbr.rel .LBB1_1-.Ltmp0, $4  }
0xa: {  	s11 =	simm.s32 $0x0;
	s3 =	rddreg [dreg:$0x1];
	s5 =	sadd.s32 s4, s5  }
0xb: {  	_ =	strace $0x8000004A;
	s4 =	simm.s32 $0x1;
	s5 =	smul.u32 $0xC8, s5  }
0xc: {  	s6 =	sadd.s32 $0xA00, s6;
	s10 =	smov.u32 s2;
	[sflag:s4] =	ssyncpa.u1 $0x0  }
0xd: {  	p0 =	por $0x0, $0x0;
	[sflag:s7] =	ssyncpa.u1 $0x0;
	s7 =	sor.u32 $0x1, s5  }
.LBB1_4:
0xe: {  	s16 =	sshll.u32 s13, $0x3;
	s17 =	sand.u32 $0x78, s13  }
0xf: {  	s30 =	sand.u32 $0x7E00, s13;
	s12 =	sshll.u32 s12, $0xF;
	s16 =	sand.u32 $0xC00, s16  }
0x10: {  	[tilespmem:s15+$0x810 ss:$0x81] =	vst.msk $0xffff, v2;
	s31 =	sand.u32 $0x7, s13;
	s16 =	sor.u32 s17, s16;
	s17 =	sadd.s32 s3, s30  }
0x11: {  	[tilespmem:s15+$0x1020 ss:$0x81] =	vst.msk $0xffff, v0;
	s13 =	sshll.u32 s31, $0x12;
	s12 =	sadd.s32 s12, s17;
	s16 =	sshrl.u32 s16, $0x3  }
0x12: {  	[tilespmem:s15+$0x0 ss:$0x81] =	vst.msk $0xffff, v1;
	s13 =	sor.u32 $0x400, s13;
	s12 =	sadd.s32 s16, s12  }
0x13: {  	[hbm4b:s12+s13] =	stream.strided.scatter [tilespmem:s14], [sflag:$0x2], $0x2000, s8, s13, $0x20;
	[tilespmem:$0x8080] =	vst v63  }
.LBB1_5:
0x14: {  	s14 =	sadd.s32 $0x1, s9  }
0x15: {  	s12 =	sadd.s32 $0x1000, s10;
	s16 =	smov.u32 s10;
	p2 =	sgt.s32 s14, $0xC7  }
0x16: {  	s16 =	smov.u32 @p2 s12  }
0x17: {  	s14 =	simm.s32 @p2 $0x0;
	p2 =	sgt.s32 s16, $0xFFF  }
0x18: {  	s16 =	smov.u32 @p2 s2;
	p2 =	sne.s32 s11, s7  }
.Ltmp1:
0x19: {  	p1 =	slt.u32 s11, $0x2;
	(pc) =	sbr.rel @!p2 .LBB1_6-.Ltmp1, $4  }
0x1a: {  	s15 =	simm.s32 @!p1 $0x2  }
0x1b: {  	s13 =	smov.u32 s10;
	p0 =	por !p0, !p0;
	_ =	swait.ge @!p1 [sflag:s15], $0x2000  }
0x1c: {  	s12 =	smov.u32 s9;
	[sflag:s15] =	ssyncset.done @!p1 $0x0;
	s9 =	smov.u32 s14  }
0x1d: {  	s11 =	sadd.s32 $0x1, s11;
	[sflag:s15] =	ssyncadd.s32 @!p1 $0xFFFFE000;
	s10 =	smov.u32 s16  }
.LBB1_1:
0x1e: {  	p1 =	sge.u32 s11, s5  }
0x1f: {  	s14 =	sand.u32 @!p1 $0x1FFFFFF, s9  }
0x20: {  	s15 =	smulhi.u32 @!p1 $0x147AE15, s14;
	_ =	sdelay $0x1  }
0x21: {  	s15 =	smul.u32 @!p1 $0xC8, s15  }
0x22: {  	s16 =	sxor.u32 @!p1 $0xFFFFFFFF, s11;
	s17 =	smul.u32 @!p1 $0xC80, s10  }
0x23: {  	s31 =	sadd.s32 $0xFFFFFFFF, s11;
	s16 =	sshll.u32 @!p1 s16, $0xD;
	s14 =	ssub.s32 @!p1 s14, s15  }
0x24: {  	s15 =	sand.u32 @!p1 $0x2000, s16;
	s16 =	sadd.s32 @!p1 s6, s17;
	s14 =	sshll.u32 @!p1 s14, $0x4  }
0x25: {  	s17 =	simm.s32 @!p1 $0x6400;
	s14 =	sadd.s32 @!p1 s14, s16;
	s16 =	simm.s32 @!p1 $0x40  }
0x26: {  	[tilespmem:s15], [sflag:$0x1] =	stream.strided.gather @!p1 [hbm4b:s14+s16], $0x2000, s17, s16, $0x38;
	[tilespmem:$0x8080] =	vst v63  }
0x27: {  	p1 =	sge.u32 s31, s5  }
.Ltmp2:
0x28: {  	_ = 	snop;
	(pc) =	sbr.rel @p1 .LBB1_5-.Ltmp2, $1  }
0x29: {  	_ =	sdelay $0x3  }
0x2a: {  	s14 =	simm.s32 $0x1  }
0x2b: {  	_ =	swait.ge [sflag:s4], $0x2000;
	s14 =	simm.s32 @!p0 $0x0  }
0x2c: {  	[sflag:s4] =	ssyncset.done $0x0;
	s15 =	sshll.u32 s14, $0xD  }
0x2d: {  	[sflag:s4] =	ssyncadd.s32 $0xFFFFE000;
	s18 =	sor.u32 $0x20, s15  }
0x2e: {  	s14 =	smul.u32 $0x8100, s14;
	v3 =	vld [tilespmem:s18+$0x10]  }
0x2f: {  	s30 =	sand.u32 $0x1, s11;
	v2 =	vld [tilespmem:s18+$0xFFFFFFF0]  }
0x30: {  	s15 =	smul.u32 $0x8100, s30;
	s14 =	sshrl.u32 s14, $0x2;
	v0 =	vld [tilespmem:s18+$0x0]  }
0x31: {  	v1 =	vld [tilespmem:s18+$0xFFFFFFE0];
	s16 =	sor.u32 $0x4000, s14  }
0x32: {  	s31 =	sshrl.u32 s15, $0x2;
	s15 =	sadd.s32 $0x0, s16  }
0x33: {  	s17 =	simm.s32 $0x4;
	s18 =	sadd.s32 $0x40, s18;
	s14 =	sor.u32 $0x4000, s31;
	[tilespmem:s15+$0x1830 ss:$0x81] =	vst.msk $0xffff, v3  }
.LBB1_3:
0x34: {  	v3 =	vld [tilespmem:s18+$0x10];
	p1 =	sne.s32 s17, $0x1FC;
	[tilespmem:s15+$0x810 ss:$0x81] =	vst.msk $0xffff, v2;
	s19 =	smov.u32 s17;
	s17 =	sadd.s32 $0x4, s17  }
.Ltmp3:
0x35: {  	v2 =	vld [tilespmem:s18+$0xFFFFFFF0];
	[tilespmem:s15+$0x1020 ss:$0x81] =	vst.msk $0xffff, v0;
	(pc) =	sbr.rel @p1 .LBB1_3-.Ltmp3, $4  }
0x36: {  	v0 =	vld [tilespmem:s18+$0x0];
	[tilespmem:s15+$0x0 ss:$0x81] =	vst.msk $0xffff, v1  }
0x37: {  	s15 =	sshra.s32 s19, $0x2;
	v1 =	vld [tilespmem:s18+$0xFFFFFFE0]  }
0x38: {  	s15 =	sadd.s32 s15, s16  }
0x39: {  	s18 =	sadd.s32 $0x40, s18;
	[tilespmem:s15+$0x1830 ss:$0x81] =	vst.msk $0xffff, v3  }
.Ltmp4:
0x3a: {  	_ = 	snop;
	(pc) =	sbr.rel .LBB1_4-.Ltmp4, $1  }
0x3b: {  	_ =	sdelay $0x3  }
.LBB1_6:
0x3c: {  	_ =	sfence.sel $0x180000  }
0x3d: {  	s2 =	simm.s32 $0x1;
	[bflag:$0x0] =	sbarrier.arrive $0xFFFF  }
0x3e: {  	s31 =	simm.s32 $0x2;
	[sflag:s2] =	ssyncpa.u1 $0x1  }
0x3f: {  	[sflag:s31] =	ssyncpa.u1 $0x1  }
0x40: {  	p0 =	sne.s32 s0, $0x0;
	_ =	strace $0x9000004A  }
0x41: {  	s0 =	sadd.s32 @!p0 $0x100000, s1;
	[bflag:$0x2] =	sbarrier.arrive $0xFFFF  }
0x42: {  	[sflag:s0] =	ssyncadd.tile.s32 @!p0 $0x1;
	_ =	shalt  }
.Lfunc_end1:
_tile_overlayer_lowered:
.L_overlay_start_2:
0x43: {  	(tag) =	ssettag $0x2  }
0x44: {  	s0 =	rddreg [dreg:$0x0];
	s2 =	stileid.u32  }
0x45: {  	s1 =	rddreg [dreg:$0x1];
	p0 =	sne.s32 s2, $0x0  }
0x46: {  	s3 =	rddreg [dreg:$0x2];
	[bflag:$0x3] =	sbarrier.arrive $0xFFFF;
	s2 =	simm.s32 @!p0 $0x1C01  }
0x47: {  	[timem:s3], [sflag:s2] =	dma.local @!p0 [hbm:s0], s1  }
0x48: {  	s0 =	simm.s32 @!p0 $0x1  }
0x49: {  	_ =	swait.ge @!p0 [sflag:s0], s1  }
0x4a: {  	s1 =	ssub.s32 @!p0 $0x0, s1;
	[sflag:s0] =	ssyncset.done @!p0 $0x0  }
0x4b: {  	[sflag:s0] =	ssyncadd.s32 @!p0 s1  }
0x4c: {  	[bflag:$0x3] =	sbarrier.arrive $0xFFFF  }
0x4d: {  	_ =	shalt  }

</sc_bundles>
